<compile_context>
chip_gen: v7x
topology: tpu7x:2x2x1
jax: 0.10.2.dev20260603
libtpu: 0.0.44.dev20260713+nightly
codegen_flags: <defaults>
</compile_context>

<pallas_src>
import functools

import jax
import jax.numpy as jnp
from jax import lax
from jax.experimental import pallas as pl
from jax.experimental.pallas import tpu as pltpu
from jax.experimental.pallas import tpu_sc as plsc

N_PAD = 10496
E = 160000
E_PAD = 163840
D = 256
DH = 128
BM = 256
K_CH = 128
NBUF = 2
NSUB = 16
ROWS_W = N_PAD // NSUB
EP_SUB = E_PAD // NSUB
NCH = EP_SUB // K_CH
NPH = 2
NCHP = NCH // NPH
EP_W32 = E_PAD // 32
DEG_W = 128

_SC_MESH = dict(
    mesh=plsc.VectorSubcoreMesh(core_axis_name="c", subcore_axis_name="s",
                                num_cores=2, num_subcores=NSUB))



def _deg_body(col_hbm, ones_hbm, zeros_hbm, out_hbm, cidx, ones_v, acc):
    c = lax.axis_index("c")
    s = lax.axis_index("s")
    w = s * 2 + c
    pltpu.sync_copy(zeros_hbm.at[pl.ds(s * ROWS_W, ROWS_W)],
                    acc.at[pl.ds(s * ROWS_W, ROWS_W)])
    pltpu.sync_copy(ones_hbm, ones_v)
    plsc.subcore_barrier()

    def body(j, carry):
        off = w * EP_W32 + j * K_CH
        pltpu.sync_copy(col_hbm.at[pl.ds(off, K_CH)], cidx)
        pltpu.sync_copy(ones_v, acc.at[cidx], add=True)
        return carry

    lax.fori_loop(0, EP_W32 // K_CH, body, 0)
    plsc.subcore_barrier()
    pltpu.sync_copy(acc.at[pl.ds(s * ROWS_W, ROWS_W)],
                    out_hbm.at[c].at[pl.ds(s * ROWS_W, ROWS_W)])


def _agg_body(g_hbm, row3_hbm, col3_hbm, zeros_hbm, out_hbm,
              idx_r, idx_c, bufs, gsems, acc):
    c = lax.axis_index("c")
    s = lax.axis_index("s")
    pltpu.sync_copy(zeros_hbm.at[pl.ds(s * ROWS_W, ROWS_W)],
                    acc.at[pl.ds(s * ROWS_W, ROWS_W)])
    plsc.subcore_barrier()

    gsrc = g_hbm.at[c]

    def phase(p, carry):
        pltpu.sync_copy(row3_hbm.at[s, pl.ds(p * NCHP, NCHP)], idx_r)
        pltpu.sync_copy(col3_hbm.at[s, pl.ds(p * NCHP, NCHP)], idx_c)
        for b in range(NBUF):
            pltpu.async_copy(gsrc.at[idx_r.at[b]], bufs[b], gsems[b])

        def body(j2, carry2):
            j = j2 * NBUF
            for b in range(NBUF):
                pltpu.make_async_copy(
                    gsrc.at[idx_r.at[j + b]], bufs[b], gsems[b]).wait()
                pltpu.sync_copy(bufs[b], acc.at[idx_c.at[j + b]], add=True)

                @pl.when(j + b + NBUF < NCHP)
                def _():
                    pltpu.async_copy(
                        gsrc.at[idx_r.at[j + b + NBUF]], bufs[b], gsems[b])
            return carry2

        lax.fori_loop(0, NCHP // NBUF, body, 0)
        return carry

    lax.fori_loop(0, NPH, phase, 0)
    plsc.subcore_barrier()
    pltpu.sync_copy(acc.at[pl.ds(s * ROWS_W, ROWS_W)],
                    out_hbm.at[c].at[pl.ds(s * ROWS_W, ROWS_W)])


def _sc_deg(col_p, ones, zeros_deg):
    return pl.kernel(
        _deg_body,
        out_type=jax.ShapeDtypeStruct((2, N_PAD, DEG_W), jnp.float32),
        scratch_types=[
            pltpu.VMEM((K_CH,), jnp.int32),
            pltpu.VMEM((K_CH, DEG_W), jnp.float32),
            pltpu.VMEM_SHARED((N_PAD, DEG_W), jnp.float32),
        ],
        **_SC_MESH,
    )(col_p, ones, zeros_deg)


def _sc_agg(g, row3, col3, zeros_g):
    return pl.kernel(
        _agg_body,
        out_type=jax.ShapeDtypeStruct((2, N_PAD, DH), jnp.float32),
        scratch_types=[
            pltpu.VMEM((NCHP, K_CH), jnp.int32),
            pltpu.VMEM((NCHP, K_CH), jnp.int32),
            [pltpu.VMEM((K_CH, DH), jnp.float32) for _ in range(NBUF)],
            [pltpu.SemaphoreType.DMA for _ in range(NBUF)],
            pltpu.VMEM_SHARED((N_PAD, DH), jnp.float32),
        ],
        **_SC_MESH,
    )(g, row3, col3, zeros_g)



def _lrelu(v):
    return jnp.where(v >= 0, v, 0.01 * v)


def _mm0_kbody(h_ref, w_ref, deg_ref, out_ref):
    dinv = lax.rsqrt(deg_ref[...])
    g = jnp.dot(h_ref[...], w_ref[...],
                preferred_element_type=jnp.float32) * dinv
    out_ref[0] = g[:, :DH]
    out_ref[1] = g[:, DH:]


def _mid_kbody(agg_ref, g_ref, deg_ref, b_ref, w_ref, out_ref):
    dinv = lax.rsqrt(deg_ref[...])
    aggc = jnp.concatenate([agg_ref[0], agg_ref[1]], axis=1)
    gc = jnp.concatenate([g_ref[0], g_ref[1]], axis=1)
    h = _lrelu(dinv * (aggc + gc) + b_ref[...])
    g = jnp.dot(h, w_ref[...], preferred_element_type=jnp.float32) * dinv
    out_ref[0] = g[:, :DH]
    out_ref[1] = g[:, DH:]


def _head_kbody(n_real, agg_ref, g_ref, deg_ref, b_ref, wm_ref, bm_ref,
                wo_ref, bo_ref, out_ref):
    dinv = lax.rsqrt(deg_ref[...])
    aggc = jnp.concatenate([agg_ref[0], agg_ref[1]], axis=1)
    gc = jnp.concatenate([g_ref[0], g_ref[1]], axis=1)
    h = _lrelu(dinv * (aggc + gc) + b_ref[...])
    hm = _lrelu(jnp.dot(h, wm_ref[...],
                        preferred_element_type=jnp.float32) + bm_ref[...])
    logits = jnp.dot(hm, wo_ref[...],
                     preferred_element_type=jnp.float32) + bo_ref[...]
    r = pl.program_id(0) * BM + lax.broadcasted_iota(jnp.int32, (BM, DH), 0)
    lane = lax.broadcasted_iota(jnp.int32, (BM, DH), 1)
    sel = (lane == 0) | (lane == 2)
    out_ref[...] = jnp.where(sel & (r >= n_real), -100.0, logits)


_GRID = N_PAD // BM


def _tc_mm0(h0, W0, deg_col):
    return pl.pallas_call(
        _mm0_kbody,
        grid=(_GRID,),
        in_specs=[
            pl.BlockSpec((BM, D), lambda i: (i, 0)),
            pl.BlockSpec((D, D), lambda i: (0, 0)),
            pl.BlockSpec((BM, 1), lambda i: (i, 0)),
        ],
        out_specs=pl.BlockSpec((2, BM, DH), lambda i: (0, i, 0)),
        out_shape=jax.ShapeDtypeStruct((2, N_PAD, DH), jnp.float32),
    )(h0, W0, deg_col)


def _tc_mid(agg, g, deg_col, b, W):
    return pl.pallas_call(
        _mid_kbody,
        grid=(_GRID,),
        in_specs=[
            pl.BlockSpec((2, BM, DH), lambda i: (0, i, 0)),
            pl.BlockSpec((2, BM, DH), lambda i: (0, i, 0)),
            pl.BlockSpec((BM, 1), lambda i: (i, 0)),
            pl.BlockSpec((1, D), lambda i: (0, 0)),
            pl.BlockSpec((D, D), lambda i: (0, 0)),
        ],
        out_specs=pl.BlockSpec((2, BM, DH), lambda i: (0, i, 0)),
        out_shape=jax.ShapeDtypeStruct((2, N_PAD, DH), jnp.float32),
    )(agg, g, deg_col, b, W)


def _tc_head(n_real, agg, g, deg_col, b2, Wm, bm, Wo_p, bo_p):
    return pl.pallas_call(
        functools.partial(_head_kbody, n_real),
        grid=(_GRID,),
        in_specs=[
            pl.BlockSpec((2, BM, DH), lambda i: (0, i, 0)),
            pl.BlockSpec((2, BM, DH), lambda i: (0, i, 0)),
            pl.BlockSpec((BM, 1), lambda i: (i, 0)),
            pl.BlockSpec((1, D), lambda i: (0, 0)),
            pl.BlockSpec((D, DH), lambda i: (0, 0)),
            pl.BlockSpec((1, DH), lambda i: (0, 0)),
            pl.BlockSpec((DH, DH), lambda i: (0, 0)),
            pl.BlockSpec((1, DH), lambda i: (0, 0)),
        ],
        out_specs=pl.BlockSpec((BM, DH), lambda i: (i, 0)),
        out_shape=jax.ShapeDtypeStruct((N_PAD, DH), jnp.float32),
    )(agg, g, deg_col, b2, Wm, bm, Wo_p, bo_p)



def kernel(x, edge_index, action_x, W0, b0, W1, b1, W2, b2, Wm, bm, Wo, bo):
    n_real = x.shape[0]
    n = n_real + action_x.shape[0]

    h0 = jnp.concatenate(
        [x, action_x, jnp.zeros((N_PAD - n, D), jnp.float32)], axis=0)
    row = edge_index[0].astype(jnp.int32)
    col = edge_index[1].astype(jnp.int32)
    pad_e = E_PAD - row.shape[0]
    row_p = jnp.concatenate([row, jnp.zeros((pad_e,), jnp.int32)])
    col_p = jnp.concatenate([col, jnp.full((pad_e,), n, jnp.int32)])
    row3 = row_p.reshape(NSUB, NCH, K_CH)
    col3 = col_p.reshape(NSUB, NCH, K_CH)

    ones = jnp.ones((K_CH, DEG_W), jnp.float32)
    zeros_g = jnp.zeros((N_PAD, DH), jnp.float32)

    deg2 = _sc_deg(col_p, ones, zeros_g)
    deg_col = (deg2[0, :, 0] + deg2[1, :, 0] + 1.0)[:, None]

    g0 = _tc_mm0(h0, W0, deg_col)
    agg0 = _sc_agg(g0, row3, col3, zeros_g)
    g1 = _tc_mid(agg0, g0, deg_col, b0[None, :], W1)
    agg1 = _sc_agg(g1, row3, col3, zeros_g)
    g2 = _tc_mid(agg1, g1, deg_col, b1[None, :], W2)
    agg2 = _sc_agg(g2, row3, col3, zeros_g)

    Wo_p = jnp.zeros((DH, DH), jnp.float32).at[:, :4].set(Wo)
    bo_p = jnp.zeros((1, DH), jnp.float32).at[0, :4].set(bo)
    out = _tc_head(n_real, agg2, g2, deg_col, b2[None, :], Wm, bm[None, :],
                   Wo_p, bo_p)

    return ((out[:n, 0], out[:n, 1]), (out[:n, 2], out[:n, 3]))

# --- scband reference (transcript-rebuilt; emitter-appended) ---
"""Pipeline reference for scband-gcnbackbone-59803124629831 (READ-ONLY COPY).

The authoritative reference and input builder live on the scoring server;
editing this copy changes nothing except your own understanding.
"""

import jax, jax.numpy as jnp
import numpy as np

N_NODES = 10000
N_EDGES = 160000
D_FEAT = 256


def setup_inputs(seed: int = 0):
    key = jax.random.key(seed)
    ks = jax.random.split(key, 12)
    x = jax.random.normal(ks[0], (N_NODES, D_FEAT), dtype=jnp.float32)
    edge_index = jax.random.randint(ks[1], (2, N_EDGES), 0, N_NODES)
    ax = np.zeros((D_FEAT + 1, D_FEAT), dtype=np.float32)
    ax[1:, :] = np.eye(D_FEAT, dtype=np.float32)
    action_x = jnp.asarray(ax)

    def w(k, shape):
        return jax.random.normal(k, shape, dtype=jnp.float32) * 0.05

    params = {
        "W0": w(ks[2], (D_FEAT, 256)), "b0": jnp.zeros((256,), jnp.float32),
        "W1": w(ks[3], (256, 256)), "b1": jnp.zeros((256,), jnp.float32),
        "W2": w(ks[4], (256, 256)), "b2": jnp.zeros((256,), jnp.float32),
        "Wm": w(ks[5], (256, 128)), "bm": jnp.zeros((128,), jnp.float32),
        "Wo": w(ks[6], (128, 4)), "bo": jnp.zeros((4,), jnp.float32),
    }
    return {"x": x, "edge_index": edge_index, "action_x": action_x, **params}


def _gcn_conv(h, row, col, norm, n, W, b):
    # PyG GCNConv: X' = D^{-1/2} (A + I) D^{-1/2} X W + b
    h = h @ W
    msg = h[row] * norm[:, None]
    out = jnp.zeros((n, h.shape[1]), h.dtype).at[col].add(msg)
    return out + b


def reference(x, edge_index, action_x, W0, b0, W1, b1, W2, b2, Wm, bm, Wo, bo):
    # combined_x = cat([x, action_space.x]); action_space.edge_index is empty [2,0]
    h = jnp.concatenate([x, action_x], axis=0)
    n = h.shape[0]
    loop = jnp.arange(n)
    row = jnp.concatenate([edge_index[0], loop])
    col = jnp.concatenate([edge_index[1], loop])
    deg = jnp.zeros((n,), jnp.float32).at[col].add(1.0)
    dinv = jnp.where(deg > 0, jax.lax.rsqrt(jnp.maximum(deg, 1e-12)), 0.0)
    norm = dinv[row] * dinv[col]
    h = jax.nn.leaky_relu(_gcn_conv(h, row, col, norm, n, W0, b0), 0.01)
    h = jax.nn.leaky_relu(_gcn_conv(h, row, col, norm, n, W1, b1), 0.01)
    h = jax.nn.leaky_relu(_gcn_conv(h, row, col, norm, n, W2, b2), 0.01)
    h = jax.nn.leaky_relu(h @ Wm + bm, 0.01)
    logits = h @ Wo + bo
    mask = jnp.zeros((n,), jnp.float32).at[: x.shape[0]].set(1.0)
    P_F_s = logits[:, 0] * mask - 100.0 * (1.0 - mask)
    P_F_e = logits[:, 1]
    P_B_s = logits[:, 2] * mask - 100.0 * (1.0 - mask)
    P_B_e = logits[:, 3]
    return ((P_F_s, P_F_e), (P_B_s, P_B_e))

if __name__ == "__main__":
    import jax
    _d = setup_inputs()
    print(jax.jit(kernel)(*tuple(_d.values())))

</pallas_src>

<mosaic_0001>
#map = affine_map<(d0, d1) -> (0)>
#map1 = affine_map<(d0, d1) -> (0, 0)>
#map2 = affine_map<(d0, d1) -> (0, 0, 0)>
module attributes {stable_mosaic.version = 14 : i64} {
  func.func @_deg_body(%arg0: i32, %arg1: i32, %arg2: memref<163840xi32, #tpu.memory_space<hbm>>, %arg3: memref<128x128xf32, #tpu.memory_space<hbm>>, %arg4: memref<10496x128xf32, #tpu.memory_space<hbm>>, %arg5: memref<2x10496x128xf32, #tpu.memory_space<hbm>>, %arg6: memref<128xi32, #tpu.memory_space<vmem>>, %arg7: memref<128x128xf32, #tpu.memory_space<vmem>>, %arg8: memref<10496x128xf32, #tpu.memory_space<vmem_shared>>) attributes {dimension_semantics = [#tpu.dimension_semantics<core_parallel>, #tpu.dimension_semantics<subcore_parallel>], iteration_bounds = array<i64: 2, 16>, scalar_prefetch = 0 : i64, scratch_operands = 3 : i64, tpu.core_type = #tpu.core_type<sc_vector_subcore>, window_params = [{transform_indices = #map}, {transform_indices = #map1}, {transform_indices = #map1}, {transform_indices = #map2}]} {
    %mul3A = arith.constant 2 : i32
    %mul3A_0 = arith.muli %arg1, %mul3A : i32
    %add3A = arith.addi %mul3A_0, %arg0 : i32
    %mul3A_1 = arith.constant 656 : i32
    %mul3A_2 = arith.muli %arg1, %mul3A_1 : i32
    %mul3A_3 = arith.constant 656 : i32
    %mul3A_4 = arith.muli %arg1, %mul3A_3 : i32
    "tpu.region"() ({
      %run_scoped3A = tpu.sem_alloc : memref<!tpu.dma_semaphore, #tpu.memory_space<semaphore_mem>>
      %dma_start3A = arith.constant 0 : i32
      %dma_start3A_15 = tpu.memref_slice %arg8[%mul3A_4, %dma_start3A] : memref<10496x128xf32, #tpu.memory_space<vmem_shared>> -> memref<656x128xf32, #tpu.memory_space<vmem_shared>>
      %dma_start3A_16 = arith.constant 0 : i32
      %dma_start3A_17 = tpu.memref_slice %arg4[%mul3A_2, %dma_start3A_16] : memref<10496x128xf32, #tpu.memory_space<hbm>> -> memref<656x128xf32, #tpu.memory_space<hbm>>
      tpu.enqueue_dma source(%dma_start3A_17 : memref<656x128xf32, #tpu.memory_space<hbm>>) target(%dma_start3A_15 : memref<656x128xf32, #tpu.memory_space<vmem_shared>>) target_semaphore(%run_scoped3A : memref<!tpu.dma_semaphore, #tpu.memory_space<semaphore_mem>>)
      %dma_wait3A = arith.constant 0 : i32
      %dma_wait3A_18 = tpu.memref_slice %arg8[%mul3A_4, %dma_wait3A] : memref<10496x128xf32, #tpu.memory_space<vmem_shared>> -> memref<656x128xf32, #tpu.memory_space<vmem_shared>>
      %dma_wait3A_19 = arith.constant 0 : i32
      %dma_wait3A_20 = tpu.memref_slice %arg4[%mul3A_2, %dma_wait3A_19] : memref<10496x128xf32, #tpu.memory_space<hbm>> -> memref<656x128xf32, #tpu.memory_space<hbm>>
      tpu.wait_dma2 semaphore(%run_scoped3A : memref<!tpu.dma_semaphore, #tpu.memory_space<semaphore_mem>>) src(%dma_wait3A_20 : memref<656x128xf32, #tpu.memory_space<hbm>>) dst(%dma_wait3A_18 : memref<656x128xf32, #tpu.memory_space<vmem_shared>>)
      tpu.yield
    }) : () -> ()
    "tpu.region"() ({
      %run_scoped3A = tpu.sem_alloc : memref<!tpu.dma_semaphore, #tpu.memory_space<semaphore_mem>>
      tpu.enqueue_dma source(%arg3 : memref<128x128xf32, #tpu.memory_space<hbm>>) target(%arg7 : memref<128x128xf32, #tpu.memory_space<vmem>>) target_semaphore(%run_scoped3A : memref<!tpu.dma_semaphore, #tpu.memory_space<semaphore_mem>>)
      tpu.wait_dma2 semaphore(%run_scoped3A : memref<!tpu.dma_semaphore, #tpu.memory_space<semaphore_mem>>) src(%arg3 : memref<128x128xf32, #tpu.memory_space<hbm>>) dst(%arg7 : memref<128x128xf32, #tpu.memory_space<vmem>>)
      tpu.yield
    }) : () -> ()
    %barrier3A = arith.constant 0 : index
    tpu.barrier barrier_id(%barrier3A)
    %scan3A = arith.constant 0 : i32
    %scan3A_5 = arith.constant 0 : i32
    %scan3A_6 = arith.constant 40 : i32
    %scan3A_7 = arith.addi %scan3A_5, %scan3A_6 : i32
    %scan3A_8 = arith.constant 1 : i32
    scf.for %scan3A_15 = %scan3A_5 to %scan3A_7 step %scan3A_8  : i32 {
      %mul3A_16 = arith.constant 5120 : i32
      %mul3A_17 = arith.muli %add3A, %mul3A_16 : i32
      %mul3A_18 = arith.constant 128 : i32
      %mul3A_19 = arith.muli %scan3A_15, %mul3A_18 : i32
      %add3A_20 = arith.addi %mul3A_17, %mul3A_19 : i32
      "tpu.region"() ({
        %run_scoped3A = tpu.sem_alloc : memref<!tpu.dma_semaphore, #tpu.memory_space<semaphore_mem>>
        %dma_start3A = tpu.memref_slice %arg2[%add3A_20] : memref<163840xi32, #tpu.memory_space<hbm>> -> memref<128xi32, #tpu.memory_space<hbm>>
        %dma_start3A_21 = tpu.memref_slice %arg2[%add3A_20] : memref<163840xi32, #tpu.memory_space<hbm>> -> memref<128xi32, #tpu.memory_space<hbm>>
        tpu.enqueue_dma source(%dma_start3A_21 : memref<128xi32, #tpu.memory_space<hbm>>) target(%arg6 : memref<128xi32, #tpu.memory_space<vmem>>) target_semaphore(%run_scoped3A : memref<!tpu.dma_semaphore, #tpu.memory_space<semaphore_mem>>)
        %dma_wait3A = tpu.memref_slice %arg2[%add3A_20] : memref<163840xi32, #tpu.memory_space<hbm>> -> memref<128xi32, #tpu.memory_space<hbm>>
        %dma_wait3A_22 = tpu.memref_slice %arg2[%add3A_20] : memref<163840xi32, #tpu.memory_space<hbm>> -> memref<128xi32, #tpu.memory_space<hbm>>
        tpu.wait_dma2 semaphore(%run_scoped3A : memref<!tpu.dma_semaphore, #tpu.memory_space<semaphore_mem>>) src(%dma_wait3A_22 : memref<128xi32, #tpu.memory_space<hbm>>) dst(%arg6 : memref<128xi32, #tpu.memory_space<vmem>>)
        tpu.yield
      }) : () -> ()
      "tpu.region"() ({
        %run_scoped3A = tpu.sem_alloc : memref<!tpu.dma_semaphore, #tpu.memory_space<semaphore_mem>>
        %dma_start3A = arith.constant 0 : i32
        %dma_start3A_21 = arith.constant 0 : i32
        %dma_start3A_22 = tpu.memref_slice %arg8[%dma_start3A, %dma_start3A_21] : memref<10496x128xf32, #tpu.memory_space<vmem_shared>> -> memref<10496x128xf32, #tpu.memory_space<vmem_shared>>
        tpu.enqueue_indirect_dma source(%arg7 : memref<128x128xf32, #tpu.memory_space<vmem>>) target(%dma_start3A_22 : memref<10496x128xf32, #tpu.memory_space<vmem_shared>>) offsets(%arg6 : memref<128xi32, #tpu.memory_space<vmem>>) semaphore(%run_scoped3A : memref<!tpu.dma_semaphore, #tpu.memory_space<semaphore_mem>>) {add = true}
        %dma_wait3A = arith.constant 0 : i32
        %dma_wait3A_23 = arith.constant 0 : i32
        %dma_wait3A_24 = tpu.memref_slice %arg8[%dma_wait3A, %dma_wait3A_23] : memref<10496x128xf32, #tpu.memory_space<vmem_shared>> -> memref<10496x128xf32, #tpu.memory_space<vmem_shared>>
        tpu.wait_indirect_dma semaphore(%run_scoped3A : memref<!tpu.dma_semaphore, #tpu.memory_space<semaphore_mem>>) src(%arg7 : memref<128x128xf32, #tpu.memory_space<vmem>>) dst(%dma_wait3A_24 : memref<10496x128xf32, #tpu.memory_space<vmem_shared>>)
        tpu.yield
      }) : () -> ()
    }
    %scan3A_9 = arith.constant 40 : i32
    %barrier3A_10 = arith.constant 0 : index
    tpu.barrier barrier_id(%barrier3A_10)
    %mul3A_11 = arith.constant 656 : i32
    %mul3A_12 = arith.muli %arg1, %mul3A_11 : i32
    %mul3A_13 = arith.constant 656 : i32
    %mul3A_14 = arith.muli %arg1, %mul3A_13 : i32
    "tpu.region"() ({
      %run_scoped3A = tpu.sem_alloc : memref<!tpu.dma_semaphore, #tpu.memory_space<semaphore_mem>>
      %dma_start3A = arith.constant 0 : i32
      %dma_start3A_15 = arith.constant 0 : i32
      %dma_start3A_16 = tpu.memref_slice %arg5[%arg0, %dma_start3A, %dma_start3A_15] : memref<2x10496x128xf32, #tpu.memory_space<hbm>> -> memref<1x10496x128xf32, #tpu.memory_space<hbm>>
      %dma_start3A_17 = tpu.memref_squeeze %dma_start3A_16 : memref<1x10496x128xf32, #tpu.memory_space<hbm>> -> memref<10496x128xf32, #tpu.memory_space<hbm>>
      %dma_start3A_18 = arith.constant 0 : i32
      %dma_start3A_19 = tpu.memref_slice %dma_start3A_17[%mul3A_14, %dma_start3A_18] : memref<10496x128xf32, #tpu.memory_space<hbm>> -> memref<656x128xf32, #tpu.memory_space<hbm>>
      %dma_start3A_20 = arith.constant 0 : i32
      %dma_start3A_21 = tpu.memref_slice %arg8[%mul3A_12, %dma_start3A_20] : memref<10496x128xf32, #tpu.memory_space<vmem_shared>> -> memref<656x128xf32, #tpu.memory_space<vmem_shared>>
      tpu.enqueue_dma source(%dma_start3A_21 : memref<656x128xf32, #tpu.memory_space<vmem_shared>>) target(%dma_start3A_19 : memref<656x128xf32, #tpu.memory_space<hbm>>) target_semaphore(%run_scoped3A : memref<!tpu.dma_semaphore, #tpu.memory_space<semaphore_mem>>)
      %dma_wait3A = arith.constant 0 : i32
      %dma_wait3A_22 = arith.constant 0 : i32
      %dma_wait3A_23 = tpu.memref_slice %arg5[%arg0, %dma_wait3A, %dma_wait3A_22] : memref<2x10496x128xf32, #tpu.memory_space<hbm>> -> memref<1x10496x128xf32, #tpu.memory_space<hbm>>
      %dma_wait3A_24 = tpu.memref_squeeze %dma_wait3A_23 : memref<1x10496x128xf32, #tpu.memory_space<hbm>> -> memref<10496x128xf32, #tpu.memory_space<hbm>>
      %dma_wait3A_25 = arith.constant 0 : i32
      %dma_wait3A_26 = tpu.memref_slice %dma_wait3A_24[%mul3A_14, %dma_wait3A_25] : memref<10496x128xf32, #tpu.memory_space<hbm>> -> memref<656x128xf32, #tpu.memory_space<hbm>>
      %dma_wait3A_27 = arith.constant 0 : i32
      %dma_wait3A_28 = tpu.memref_slice %arg8[%mul3A_12, %dma_wait3A_27] : memref<10496x128xf32, #tpu.memory_space<vmem_shared>> -> memref<656x128xf32, #tpu.memory_space<vmem_shared>>
      tpu.wait_dma2 semaphore(%run_scoped3A : memref<!tpu.dma_semaphore, #tpu.memory_space<semaphore_mem>>) src(%dma_wait3A_28 : memref<656x128xf32, #tpu.memory_space<vmem_shared>>) dst(%dma_wait3A_26 : memref<656x128xf32, #tpu.memory_space<hbm>>)
      tpu.yield
    }) : () -> ()
    return
  }
}

#map = affine_map<(d0, d1) -> (0, 0, 0)>
#map1 = affine_map<(d0, d1) -> (0, 0)>
module attributes {stable_mosaic.version = 14 : i64} {
  func.func @_agg_body(%arg0: i32, %arg1: i32, %arg2: memref<2x10496x128xf32, #tpu.memory_space<hbm>>, %arg3: memref<16x80x128xi32, #tpu.memory_space<hbm>>, %arg4: memref<16x80x128xi32, #tpu.memory_space<hbm>>, %arg5: memref<10496x128xf32, #tpu.memory_space<hbm>>, %arg6: memref<2x10496x128xf32, #tpu.memory_space<hbm>>, %arg7: memref<40x128xi32, #tpu.memory_space<vmem>>, %arg8: memref<40x128xi32, #tpu.memory_space<vmem>>, %arg9: memref<128x128xf32, #tpu.memory_space<vmem>>, %arg10: memref<128x128xf32, #tpu.memory_space<vmem>>, %arg11: memref<!tpu.dma_semaphore, #tpu.memory_space<semaphore_mem>>, %arg12: memref<!tpu.dma_semaphore, #tpu.memory_space<semaphore_mem>>, %arg13: memref<10496x128xf32, #tpu.memory_space<vmem_shared>>) attributes {dimension_semantics = [#tpu.dimension_semantics<core_parallel>, #tpu.dimension_semantics<subcore_parallel>], iteration_bounds = array<i64: 2, 16>, scalar_prefetch = 0 : i64, scratch_operands = 7 : i64, tpu.core_type = #tpu.core_type<sc_vector_subcore>, window_params = [{transform_indices = #map}, {transform_indices = #map}, {transform_indices = #map}, {transform_indices = #map1}, {transform_indices = #map}]} {
    %mul3A = arith.constant 656 : i32
    %mul3A_0 = arith.muli %arg1, %mul3A : i32
    %mul3A_1 = arith.constant 656 : i32
    %mul3A_2 = arith.muli %arg1, %mul3A_1 : i32
    "tpu.region"() ({
      %run_scoped3A = tpu.sem_alloc : memref<!tpu.dma_semaphore, #tpu.memory_space<semaphore_mem>>
      %dma_start3A = arith.constant 0 : i32
      %dma_start3A_13 = tpu.memref_slice %arg13[%mul3A_2, %dma_start3A] : memref<10496x128xf32, #tpu.memory_space<vmem_shared>> -> memref<656x128xf32, #tpu.memory_space<vmem_shared>>
      %dma_start3A_14 = arith.constant 0 : i32
      %dma_start3A_15 = tpu.memref_slice %arg5[%mul3A_0, %dma_start3A_14] : memref<10496x128xf32, #tpu.memory_space<hbm>> -> memref<656x128xf32, #tpu.memory_space<hbm>>
      tpu.enqueue_dma source(%dma_start3A_15 : memref<656x128xf32, #tpu.memory_space<hbm>>) target(%dma_start3A_13 : memref<656x128xf32, #tpu.memory_space<vmem_shared>>) target_semaphore(%run_scoped3A : memref<!tpu.dma_semaphore, #tpu.memory_space<semaphore_mem>>)
      %dma_wait3A = arith.constant 0 : i32
      %dma_wait3A_16 = tpu.memref_slice %arg13[%mul3A_2, %dma_wait3A] : memref<10496x128xf32, #tpu.memory_space<vmem_shared>> -> memref<656x128xf32, #tpu.memory_space<vmem_shared>>
      %dma_wait3A_17 = arith.constant 0 : i32
      %dma_wait3A_18 = tpu.memref_slice %arg5[%mul3A_0, %dma_wait3A_17] : memref<10496x128xf32, #tpu.memory_space<hbm>> -> memref<656x128xf32, #tpu.memory_space<hbm>>
      tpu.wait_dma2 semaphore(%run_scoped3A : memref<!tpu.dma_semaphore, #tpu.memory_space<semaphore_mem>>) src(%dma_wait3A_18 : memref<656x128xf32, #tpu.memory_space<hbm>>) dst(%dma_wait3A_16 : memref<656x128xf32, #tpu.memory_space<vmem_shared>>)
      tpu.yield
    }) : () -> ()
    %barrier3A = arith.constant 0 : index
    tpu.barrier barrier_id(%barrier3A)
    %scan3A = arith.constant 0 : i32
    %scan3A_3 = arith.constant 0 : i32
    %scan3A_4 = arith.constant 2 : i32
    %scan3A_5 = arith.addi %scan3A_3, %scan3A_4 : i32
    %scan3A_6 = arith.constant 1 : i32
    scf.for %scan3A_13 = %scan3A_3 to %scan3A_5 step %scan3A_6  : i32 {
      %mul3A_14 = arith.constant 40 : i32
      %mul3A_15 = arith.muli %scan3A_13, %mul3A_14 : i32
      "tpu.region"() ({
        %run_scoped3A = tpu.sem_alloc : memref<!tpu.dma_semaphore, #tpu.memory_space<semaphore_mem>>
        %dma_start3A_45 = arith.constant 0 : i32
        %dma_start3A_46 = tpu.memref_slice %arg3[%arg1, %mul3A_15, %dma_start3A_45] : memref<16x80x128xi32, #tpu.memory_space<hbm>> -> memref<1x40x128xi32, #tpu.memory_space<hbm>>
        %dma_start3A_47 = tpu.memref_squeeze %dma_start3A_46 : memref<1x40x128xi32, #tpu.memory_space<hbm>> -> memref<40x128xi32, #tpu.memory_space<hbm>>
        %dma_start3A_48 = arith.constant 0 : i32
        %dma_start3A_49 = tpu.memref_slice %arg3[%arg1, %mul3A_15, %dma_start3A_48] : memref<16x80x128xi32, #tpu.memory_space<hbm>> -> memref<1x40x128xi32, #tpu.memory_space<hbm>>
        %dma_start3A_50 = tpu.memref_squeeze %dma_start3A_49 : memref<1x40x128xi32, #tpu.memory_space<hbm>> -> memref<40x128xi32, #tpu.memory_space<hbm>>
        tpu.enqueue_dma source(%dma_start3A_50 : memref<40x128xi32, #tpu.memory_space<hbm>>) target(%arg7 : memref<40x128xi32, #tpu.memory_space<vmem>>) target_semaphore(%run_scoped3A : memref<!tpu.dma_semaphore, #tpu.memory_space<semaphore_mem>>)
        %dma_wait3A = arith.constant 0 : i32
        %dma_wait3A_51 = tpu.memref_slice %arg3[%arg1, %mul3A_15, %dma_wait3A] : memref<16x80x128xi32, #tpu.memory_space<hbm>> -> memref<1x40x128xi32, #tpu.memory_space<hbm>>
        %dma_wait3A_52 = tpu.memref_squeeze %dma_wait3A_51 : memref<1x40x128xi32, #tpu.memory_space<hbm>> -> memref<40x128xi32, #tpu.memory_space<hbm>>
        %dma_wait3A_53 = arith.constant 0 : i32
        %dma_wait3A_54 = tpu.memref_slice %arg3[%arg1, %mul3A_15, %dma_wait3A_53] : memref<16x80x128xi32, #tpu.memory_space<hbm>> -> memref<1x40x128xi32, #tpu.memory_space<hbm>>
        %dma_wait3A_55 = tpu.memref_squeeze %dma_wait3A_54 : memref<1x40x128xi32, #tpu.memory_space<hbm>> -> memref<40x128xi32, #tpu.memory_space<hbm>>
        tpu.wait_dma2 semaphore(%run_scoped3A : memref<!tpu.dma_semaphore, #tpu.memory_space<semaphore_mem>>) src(%dma_wait3A_55 : memref<40x128xi32, #tpu.memory_space<hbm>>) dst(%arg7 : memref<40x128xi32, #tpu.memory_space<vmem>>)
        tpu.yield
      }) : () -> ()
      %mul3A_16 = arith.constant 40 : i32
      %mul3A_17 = arith.muli %scan3A_13, %mul3A_16 : i32
      "tpu.region"() ({
        %run_scoped3A = tpu.sem_alloc : memref<!tpu.dma_semaphore, #tpu.memory_space<semaphore_mem>>
        %dma_start3A_45 = arith.constant 0 : i32
        %dma_start3A_46 = tpu.memref_slice %arg4[%arg1, %mul3A_17, %dma_start3A_45] : memref<16x80x128xi32, #tpu.memory_space<hbm>> -> memref<1x40x128xi32, #tpu.memory_space<hbm>>
        %dma_start3A_47 = tpu.memref_squeeze %dma_start3A_46 : memref<1x40x128xi32, #tpu.memory_space<hbm>> -> memref<40x128xi32, #tpu.memory_space<hbm>>
        %dma_start3A_48 = arith.constant 0 : i32
        %dma_start3A_49 = tpu.memref_slice %arg4[%arg1, %mul3A_17, %dma_start3A_48] : memref<16x80x128xi32, #tpu.memory_space<hbm>> -> memref<1x40x128xi32, #tpu.memory_space<hbm>>
        %dma_start3A_50 = tpu.memref_squeeze %dma_start3A_49 : memref<1x40x128xi32, #tpu.memory_space<hbm>> -> memref<40x128xi32, #tpu.memory_space<hbm>>
        tpu.enqueue_dma source(%dma_start3A_50 : memref<40x128xi32, #tpu.memory_space<hbm>>) target(%arg8 : memref<40x128xi32, #tpu.memory_space<vmem>>) target_semaphore(%run_scoped3A : memref<!tpu.dma_semaphore, #tpu.memory_space<semaphore_mem>>)
        %dma_wait3A = arith.constant 0 : i32
        %dma_wait3A_51 = tpu.memref_slice %arg4[%arg1, %mul3A_17, %dma_wait3A] : memref<16x80x128xi32, #tpu.memory_space<hbm>> -> memref<1x40x128xi32, #tpu.memory_space<hbm>>
        %dma_wait3A_52 = tpu.memref_squeeze %dma_wait3A_51 : memref<1x40x128xi32, #tpu.memory_space<hbm>> -> memref<40x128xi32, #tpu.memory_space<hbm>>
        %dma_wait3A_53 = arith.constant 0 : i32
        %dma_wait3A_54 = tpu.memref_slice %arg4[%arg1, %mul3A_17, %dma_wait3A_53] : memref<16x80x128xi32, #tpu.memory_space<hbm>> -> memref<1x40x128xi32, #tpu.memory_space<hbm>>
        %dma_wait3A_55 = tpu.memref_squeeze %dma_wait3A_54 : memref<1x40x128xi32, #tpu.memory_space<hbm>> -> memref<40x128xi32, #tpu.memory_space<hbm>>
        tpu.wait_dma2 semaphore(%run_scoped3A : memref<!tpu.dma_semaphore, #tpu.memory_space<semaphore_mem>>) src(%dma_wait3A_55 : memref<40x128xi32, #tpu.memory_space<hbm>>) dst(%arg8 : memref<40x128xi32, #tpu.memory_space<vmem>>)
        tpu.yield
      }) : () -> ()
      %dma_start3A = arith.constant 0 : i32
      %dma_start3A_18 = arith.constant 0 : i32
      %dma_start3A_19 = tpu.memref_slice %arg7[%dma_start3A, %dma_start3A_18] : memref<40x128xi32, #tpu.memory_space<vmem>> -> memref<1x128xi32, #tpu.memory_space<vmem>>
      %dma_start3A_20 = tpu.memref_squeeze %dma_start3A_19 : memref<1x128xi32, #tpu.memory_space<vmem>> -> memref<128xi32, #tpu.memory_space<vmem>>
      %dma_start3A_21 = arith.constant 0 : i32
      %dma_start3A_22 = arith.constant 0 : i32
      %dma_start3A_23 = tpu.memref_slice %arg2[%arg0, %dma_start3A_21, %dma_start3A_22] : memref<2x10496x128xf32, #tpu.memory_space<hbm>> -> memref<1x10496x128xf32, #tpu.memory_space<hbm>>
      %dma_start3A_24 = tpu.memref_squeeze %dma_start3A_23 : memref<1x10496x128xf32, #tpu.memory_space<hbm>> -> memref<10496x128xf32, #tpu.memory_space<hbm>>
      %dma_start3A_25 = arith.constant 0 : i32
      %dma_start3A_26 = arith.constant 0 : i32
      %dma_start3A_27 = tpu.memref_slice %dma_start3A_24[%dma_start3A_25, %dma_start3A_26] : memref<10496x128xf32, #tpu.memory_space<hbm>> -> memref<10496x128xf32, #tpu.memory_space<hbm>>
      tpu.enqueue_indirect_dma source(%dma_start3A_27 : memref<10496x128xf32, #tpu.memory_space<hbm>>) target(%arg9 : memref<128x128xf32, #tpu.memory_space<vmem>>) offsets(%dma_start3A_20 : memref<128xi32, #tpu.memory_space<vmem>>) semaphore(%arg11 : memref<!tpu.dma_semaphore, #tpu.memory_space<semaphore_mem>>)
      %dma_start3A_28 = arith.constant 1 : i32
      %dma_start3A_29 = arith.constant 0 : i32
      %dma_start3A_30 = tpu.memref_slice %arg7[%dma_start3A_28, %dma_start3A_29] : memref<40x128xi32, #tpu.memory_space<vmem>> -> memref<1x128xi32, #tpu.memory_space<vmem>>
      %dma_start3A_31 = tpu.memref_squeeze %dma_start3A_30 : memref<1x128xi32, #tpu.memory_space<vmem>> -> memref<128xi32, #tpu.memory_space<vmem>>
      %dma_start3A_32 = arith.constant 0 : i32
      %dma_start3A_33 = arith.constant 0 : i32
      %dma_start3A_34 = tpu.memref_slice %arg2[%arg0, %dma_start3A_32, %dma_start3A_33] : memref<2x10496x128xf32, #tpu.memory_space<hbm>> -> memref<1x10496x128xf32, #tpu.memory_space<hbm>>
      %dma_start3A_35 = tpu.memref_squeeze %dma_start3A_34 : memref<1x10496x128xf32, #tpu.memory_space<hbm>> -> memref<10496x128xf32, #tpu.memory_space<hbm>>
      %dma_start3A_36 = arith.constant 0 : i32
      %dma_start3A_37 = arith.constant 0 : i32
      %dma_start3A_38 = tpu.memref_slice %dma_start3A_35[%dma_start3A_36, %dma_start3A_37] : memref<10496x128xf32, #tpu.memory_space<hbm>> -> memref<10496x128xf32, #tpu.memory_space<hbm>>
      tpu.enqueue_indirect_dma source(%dma_start3A_38 : memref<10496x128xf32, #tpu.memory_space<hbm>>) target(%arg10 : memref<128x128xf32, #tpu.memory_space<vmem>>) offsets(%dma_start3A_31 : memref<128xi32, #tpu.memory_space<vmem>>) semaphore(%arg12 : memref<!tpu.dma_semaphore, #tpu.memory_space<semaphore_mem>>)
      %scan3A_39 = arith.constant 0 : i32
      %scan3A_40 = arith.constant 0 : i32
      %scan3A_41 = arith.constant 20 : i32
      %scan3A_42 = arith.addi %scan3A_40, %scan3A_41 : i32
      %scan3A_43 = arith.constant 1 : i32
      scf.for %scan3A_45 = %scan3A_40 to %scan3A_42 step %scan3A_43  : i32 {
        %mul3A_46 = arith.constant 2 : i32
        %mul3A_47 = arith.muli %scan3A_45, %mul3A_46 : i32
        %add3A = arith.constant 0 : i32
        %add3A_48 = arith.addi %mul3A_47, %add3A : i32
        %dma_wait3A = arith.constant 0 : i32
        %dma_wait3A_49 = tpu.memref_slice %arg7[%add3A_48, %dma_wait3A] : memref<40x128xi32, #tpu.memory_space<vmem>> -> memref<1x128xi32, #tpu.memory_space<vmem>>
        %dma_wait3A_50 = tpu.memref_squeeze %dma_wait3A_49 : memref<1x128xi32, #tpu.memory_space<vmem>> -> memref<128xi32, #tpu.memory_space<vmem>>
        %dma_wait3A_51 = arith.constant 0 : i32
        %dma_wait3A_52 = arith.constant 0 : i32
        %dma_wait3A_53 = tpu.memref_slice %arg2[%arg0, %dma_wait3A_51, %dma_wait3A_52] : memref<2x10496x128xf32, #tpu.memory_space<hbm>> -> memref<1x10496x128xf32, #tpu.memory_space<hbm>>
        %dma_wait3A_54 = tpu.memref_squeeze %dma_wait3A_53 : memref<1x10496x128xf32, #tpu.memory_space<hbm>> -> memref<10496x128xf32, #tpu.memory_space<hbm>>
        %dma_wait3A_55 = arith.constant 0 : i32
        %dma_wait3A_56 = arith.constant 0 : i32
        %dma_wait3A_57 = tpu.memref_slice %dma_wait3A_54[%dma_wait3A_55, %dma_wait3A_56] : memref<10496x128xf32, #tpu.memory_space<hbm>> -> memref<10496x128xf32, #tpu.memory_space<hbm>>
        tpu.wait_indirect_dma semaphore(%arg11 : memref<!tpu.dma_semaphore, #tpu.memory_space<semaphore_mem>>) src(%dma_wait3A_57 : memref<10496x128xf32, #tpu.memory_space<hbm>>) dst(%arg9 : memref<128x128xf32, #tpu.memory_space<vmem>>)
        %add3A_58 = arith.constant 0 : i32
        %add3A_59 = arith.addi %mul3A_47, %add3A_58 : i32
        "tpu.region"() ({
          %run_scoped3A = tpu.sem_alloc : memref<!tpu.dma_semaphore, #tpu.memory_space<semaphore_mem>>
          %dma_start3A_89 = arith.constant 0 : i32
          %dma_start3A_90 = tpu.memref_slice %arg8[%add3A_59, %dma_start3A_89] : memref<40x128xi32, #tpu.memory_space<vmem>> -> memref<1x128xi32, #tpu.memory_space<vmem>>
          %dma_start3A_91 = tpu.memref_squeeze %dma_start3A_90 : memref<1x128xi32, #tpu.memory_space<vmem>> -> memref<128xi32, #tpu.memory_space<vmem>>
          %dma_start3A_92 = arith.constant 0 : i32
          %dma_start3A_93 = arith.constant 0 : i32
          %dma_start3A_94 = tpu.memref_slice %arg13[%dma_start3A_92, %dma_start3A_93] : memref<10496x128xf32, #tpu.memory_space<vmem_shared>> -> memref<10496x128xf32, #tpu.memory_space<vmem_shared>>
          tpu.enqueue_indirect_dma source(%arg9 : memref<128x128xf32, #tpu.memory_space<vmem>>) target(%dma_start3A_94 : memref<10496x128xf32, #tpu.memory_space<vmem_shared>>) offsets(%dma_start3A_91 : memref<128xi32, #tpu.memory_space<vmem>>) semaphore(%run_scoped3A : memref<!tpu.dma_semaphore, #tpu.memory_space<semaphore_mem>>) {add = true}
          %dma_wait3A_95 = arith.constant 0 : i32
          %dma_wait3A_96 = tpu.memref_slice %arg8[%add3A_59, %dma_wait3A_95] : memref<40x128xi32, #tpu.memory_space<vmem>> -> memref<1x128xi32, #tpu.memory_space<vmem>>
          %dma_wait3A_97 = tpu.memref_squeeze %dma_wait3A_96 : memref<1x128xi32, #tpu.memory_space<vmem>> -> memref<128xi32, #tpu.memory_space<vmem>>
          %dma_wait3A_98 = arith.constant 0 : i32
          %dma_wait3A_99 = arith.constant 0 : i32
          %dma_wait3A_100 = tpu.memref_slice %arg13[%dma_wait3A_98, %dma_wait3A_99] : memref<10496x128xf32, #tpu.memory_space<vmem_shared>> -> memref<10496x128xf32, #tpu.memory_space<vmem_shared>>
          tpu.wait_indirect_dma semaphore(%run_scoped3A : memref<!tpu.dma_semaphore, #tpu.memory_space<semaphore_mem>>) src(%arg9 : memref<128x128xf32, #tpu.memory_space<vmem>>) dst(%dma_wait3A_100 : memref<10496x128xf32, #tpu.memory_space<vmem_shared>>)
          tpu.yield
        }) : () -> ()
        %add3A_60 = arith.constant 0 : i32
        %add3A_61 = arith.addi %mul3A_47, %add3A_60 : i32
        %add3A_62 = arith.constant 2 : i32
        %add3A_63 = arith.addi %add3A_61, %add3A_62 : i32
        %lt3A = arith.constant 40 : i32
        %lt3A_64 = arith.cmpi slt, %add3A_63, %lt3A : i32
        %convert_element_type3A = arith.extui %lt3A_64 : i1 to i32
        %cond3A = arith.constant 0 : i32
        %cond3A_65 = arith.cmpi ne, %convert_element_type3A, %cond3A : i32
        scf.if %cond3A_65 {
          %add3A_89 = arith.constant 0 : i32
          %add3A_90 = arith.addi %mul3A_47, %add3A_89 : i32
          %add3A_91 = arith.constant 2 : i32
          %add3A_92 = arith.addi %add3A_90, %add3A_91 : i32
          %dma_start3A_93 = arith.constant 0 : i32
          %dma_start3A_94 = tpu.memref_slice %arg7[%add3A_92, %dma_start3A_93] : memref<40x128xi32, #tpu.memory_space<vmem>> -> memref<1x128xi32, #tpu.memory_space<vmem>>
          %dma_start3A_95 = tpu.memref_squeeze %dma_start3A_94 : memref<1x128xi32, #tpu.memory_space<vmem>> -> memref<128xi32, #tpu.memory_space<vmem>>
          %dma_start3A_96 = arith.constant 0 : i32
          %dma_start3A_97 = arith.constant 0 : i32
          %dma_start3A_98 = tpu.memref_slice %arg2[%arg0, %dma_start3A_96, %dma_start3A_97] : memref<2x10496x128xf32, #tpu.memory_space<hbm>> -> memref<1x10496x128xf32, #tpu.memory_space<hbm>>
          %dma_start3A_99 = tpu.memref_squeeze %dma_start3A_98 : memref<1x10496x128xf32, #tpu.memory_space<hbm>> -> memref<10496x128xf32, #tpu.memory_space<hbm>>
          %dma_start3A_100 = arith.constant 0 : i32
          %dma_start3A_101 = arith.constant 0 : i32
          %dma_start3A_102 = tpu.memref_slice %dma_start3A_99[%dma_start3A_100, %dma_start3A_101] : memref<10496x128xf32, #tpu.memory_space<hbm>> -> memref<10496x128xf32, #tpu.memory_space<hbm>>
          tpu.enqueue_indirect_dma source(%dma_start3A_102 : memref<10496x128xf32, #tpu.memory_space<hbm>>) target(%arg9 : memref<128x128xf32, #tpu.memory_space<vmem>>) offsets(%dma_start3A_95 : memref<128xi32, #tpu.memory_space<vmem>>) semaphore(%arg11 : memref<!tpu.dma_semaphore, #tpu.memory_space<semaphore_mem>>)
        } else {
        }
        %add3A_66 = arith.constant 1 : i32
        %add3A_67 = arith.addi %mul3A_47, %add3A_66 : i32
        %dma_wait3A_68 = arith.constant 0 : i32
        %dma_wait3A_69 = tpu.memref_slice %arg7[%add3A_67, %dma_wait3A_68] : memref<40x128xi32, #tpu.memory_space<vmem>> -> memref<1x128xi32, #tpu.memory_space<vmem>>
        %dma_wait3A_70 = tpu.memref_squeeze %dma_wait3A_69 : memref<1x128xi32, #tpu.memory_space<vmem>> -> memref<128xi32, #tpu.memory_space<vmem>>
        %dma_wait3A_71 = arith.constant 0 : i32
        %dma_wait3A_72 = arith.constant 0 : i32
        %dma_wait3A_73 = tpu.memref_slice %arg2[%arg0, %dma_wait3A_71, %dma_wait3A_72] : memref<2x10496x128xf32, #tpu.memory_space<hbm>> -> memref<1x10496x128xf32, #tpu.memory_space<hbm>>
        %dma_wait3A_74 = tpu.memref_squeeze %dma_wait3A_73 : memref<1x10496x128xf32, #tpu.memory_space<hbm>> -> memref<10496x128xf32, #tpu.memory_space<hbm>>
        %dma_wait3A_75 = arith.constant 0 : i32
        %dma_wait3A_76 = arith.constant 0 : i32
        %dma_wait3A_77 = tpu.memref_slice %dma_wait3A_74[%dma_wait3A_75, %dma_wait3A_76] : memref<10496x128xf32, #tpu.memory_space<hbm>> -> memref<10496x128xf32, #tpu.memory_space<hbm>>
        tpu.wait_indirect_dma semaphore(%arg12 : memref<!tpu.dma_semaphore, #tpu.memory_space<semaphore_mem>>) src(%dma_wait3A_77 : memref<10496x128xf32, #tpu.memory_space<hbm>>) dst(%arg10 : memref<128x128xf32, #tpu.memory_space<vmem>>)
        %add3A_78 = arith.constant 1 : i32
        %add3A_79 = arith.addi %mul3A_47, %add3A_78 : i32
        "tpu.region"() ({
          %run_scoped3A = tpu.sem_alloc : memref<!tpu.dma_semaphore, #tpu.memory_space<semaphore_mem>>
          %dma_start3A_89 = arith.constant 0 : i32
          %dma_start3A_90 = tpu.memref_slice %arg8[%add3A_79, %dma_start3A_89] : memref<40x128xi32, #tpu.memory_space<vmem>> -> memref<1x128xi32, #tpu.memory_space<vmem>>
          %dma_start3A_91 = tpu.memref_squeeze %dma_start3A_90 : memref<1x128xi32, #tpu.memory_space<vmem>> -> memref<128xi32, #tpu.memory_space<vmem>>
          %dma_start3A_92 = arith.constant 0 : i32
          %dma_start3A_93 = arith.constant 0 : i32
          %dma_start3A_94 = tpu.memref_slice %arg13[%dma_start3A_92, %dma_start3A_93] : memref<10496x128xf32, #tpu.memory_space<vmem_shared>> -> memref<10496x128xf32, #tpu.memory_space<vmem_shared>>
          tpu.enqueue_indirect_dma source(%arg10 : memref<128x128xf32, #tpu.memory_space<vmem>>) target(%dma_start3A_94 : memref<10496x128xf32, #tpu.memory_space<vmem_shared>>) offsets(%dma_start3A_91 : memref<128xi32, #tpu.memory_space<vmem>>) semaphore(%run_scoped3A : memref<!tpu.dma_semaphore, #tpu.memory_space<semaphore_mem>>) {add = true}
          %dma_wait3A_95 = arith.constant 0 : i32
          %dma_wait3A_96 = tpu.memref_slice %arg8[%add3A_79, %dma_wait3A_95] : memref<40x128xi32, #tpu.memory_space<vmem>> -> memref<1x128xi32, #tpu.memory_space<vmem>>
          %dma_wait3A_97 = tpu.memref_squeeze %dma_wait3A_96 : memref<1x128xi32, #tpu.memory_space<vmem>> -> memref<128xi32, #tpu.memory_space<vmem>>
          %dma_wait3A_98 = arith.constant 0 : i32
          %dma_wait3A_99 = arith.constant 0 : i32
          %dma_wait3A_100 = tpu.memref_slice %arg13[%dma_wait3A_98, %dma_wait3A_99] : memref<10496x128xf32, #tpu.memory_space<vmem_shared>> -> memref<10496x128xf32, #tpu.memory_space<vmem_shared>>
          tpu.wait_indirect_dma semaphore(%run_scoped3A : memref<!tpu.dma_semaphore, #tpu.memory_space<semaphore_mem>>) src(%arg10 : memref<128x128xf32, #tpu.memory_space<vmem>>) dst(%dma_wait3A_100 : memref<10496x128xf32, #tpu.memory_space<vmem_shared>>)
          tpu.yield
        }) : () -> ()
        %add3A_80 = arith.constant 1 : i32
        %add3A_81 = arith.addi %mul3A_47, %add3A_80 : i32
        %add3A_82 = arith.constant 2 : i32
        %add3A_83 = arith.addi %add3A_81, %add3A_82 : i32
        %lt3A_84 = arith.constant 40 : i32
        %lt3A_85 = arith.cmpi slt, %add3A_83, %lt3A_84 : i32
        %convert_element_type3A_86 = arith.extui %lt3A_85 : i1 to i32
        %cond3A_87 = arith.constant 0 : i32
        %cond3A_88 = arith.cmpi ne, %convert_element_type3A_86, %cond3A_87 : i32
        scf.if %cond3A_88 {
          %add3A_89 = arith.constant 1 : i32
          %add3A_90 = arith.addi %mul3A_47, %add3A_89 : i32
          %add3A_91 = arith.constant 2 : i32
          %add3A_92 = arith.addi %add3A_90, %add3A_91 : i32
          %dma_start3A_93 = arith.constant 0 : i32
          %dma_start3A_94 = tpu.memref_slice %arg7[%add3A_92, %dma_start3A_93] : memref<40x128xi32, #tpu.memory_space<vmem>> -> memref<1x128xi32, #tpu.memory_space<vmem>>
          %dma_start3A_95 = tpu.memref_squeeze %dma_start3A_94 : memref<1x128xi32, #tpu.memory_space<vmem>> -> memref<128xi32, #tpu.memory_space<vmem>>
          %dma_start3A_96 = arith.constant 0 : i32
          %dma_start3A_97 = arith.constant 0 : i32
          %dma_start3A_98 = tpu.memref_slice %arg2[%arg0, %dma_start3A_96, %dma_start3A_97] : memref<2x10496x128xf32, #tpu.memory_space<hbm>> -> memref<1x10496x128xf32, #tpu.memory_space<hbm>>
          %dma_start3A_99 = tpu.memref_squeeze %dma_start3A_98 : memref<1x10496x128xf32, #tpu.memory_space<hbm>> -> memref<10496x128xf32, #tpu.memory_space<hbm>>
          %dma_start3A_100 = arith.constant 0 : i32
          %dma_start3A_101 = arith.constant 0 : i32
          %dma_start3A_102 = tpu.memref_slice %dma_start3A_99[%dma_start3A_100, %dma_start3A_101] : memref<10496x128xf32, #tpu.memory_space<hbm>> -> memref<10496x128xf32, #tpu.memory_space<hbm>>
          tpu.enqueue_indirect_dma source(%dma_start3A_102 : memref<10496x128xf32, #tpu.memory_space<hbm>>) target(%arg10 : memref<128x128xf32, #tpu.memory_space<vmem>>) offsets(%dma_start3A_95 : memref<128xi32, #tpu.memory_space<vmem>>) semaphore(%arg12 : memref<!tpu.dma_semaphore, #tpu.memory_space<semaphore_mem>>)
        } else {
        }
      }
      %scan3A_44 = arith.constant 20 : i32
    }
    %scan3A_7 = arith.constant 2 : i32
    %barrier3A_8 = arith.constant 0 : index
    tpu.barrier barrier_id(%barrier3A_8)
    %mul3A_9 = arith.constant 656 : i32
    %mul3A_10 = arith.muli %arg1, %mul3A_9 : i32
    %mul3A_11 = arith.constant 656 : i32
    %mul3A_12 = arith.muli %arg1, %mul3A_11 : i32
    "tpu.region"() ({
      %run_scoped3A = tpu.sem_alloc : memref<!tpu.dma_semaphore, #tpu.memory_space<semaphore_mem>>
      %dma_start3A = arith.constant 0 : i32
      %dma_start3A_13 = arith.constant 0 : i32
      %dma_start3A_14 = tpu.memref_slice %arg6[%arg0, %dma_start3A, %dma_start3A_13] : memref<2x10496x128xf32, #tpu.memory_space<hbm>> -> memref<1x10496x128xf32, #tpu.memory_space<hbm>>
      %dma_start3A_15 = tpu.memref_squeeze %dma_start3A_14 : memref<1x10496x128xf32, #tpu.memory_space<hbm>> -> memref<10496x128xf32, #tpu.memory_space<hbm>>
      %dma_start3A_16 = arith.constant 0 : i32
      %dma_start3A_17 = tpu.memref_slice %dma_start3A_15[%mul3A_12, %dma_start3A_16] : memref<10496x128xf32, #tpu.memory_space<hbm>> -> memref<656x128xf32, #tpu.memory_space<hbm>>
      %dma_start3A_18 = arith.constant 0 : i32
      %dma_start3A_19 = tpu.memref_slice %arg13[%mul3A_10, %dma_start3A_18] : memref<10496x128xf32, #tpu.memory_space<vmem_shared>> -> memref<656x128xf32, #tpu.memory_space<vmem_shared>>
      tpu.enqueue_dma source(%dma_start3A_19 : memref<656x128xf32, #tpu.memory_space<vmem_shared>>) target(%dma_start3A_17 : memref<656x128xf32, #tpu.memory_space<hbm>>) target_semaphore(%run_scoped3A : memref<!tpu.dma_semaphore, #tpu.memory_space<semaphore_mem>>)
      %dma_wait3A = arith.constant 0 : i32
      %dma_wait3A_20 = arith.constant 0 : i32
      %dma_wait3A_21 = tpu.memref_slice %arg6[%arg0, %dma_wait3A, %dma_wait3A_20] : memref<2x10496x128xf32, #tpu.memory_space<hbm>> -> memref<1x10496x128xf32, #tpu.memory_space<hbm>>
      %dma_wait3A_22 = tpu.memref_squeeze %dma_wait3A_21 : memref<1x10496x128xf32, #tpu.memory_space<hbm>> -> memref<10496x128xf32, #tpu.memory_space<hbm>>
      %dma_wait3A_23 = arith.constant 0 : i32
      %dma_wait3A_24 = tpu.memref_slice %dma_wait3A_22[%mul3A_12, %dma_wait3A_23] : memref<10496x128xf32, #tpu.memory_space<hbm>> -> memref<656x128xf32, #tpu.memory_space<hbm>>
      %dma_wait3A_25 = arith.constant 0 : i32
      %dma_wait3A_26 = tpu.memref_slice %arg13[%mul3A_10, %dma_wait3A_25] : memref<10496x128xf32, #tpu.memory_space<vmem_shared>> -> memref<656x128xf32, #tpu.memory_space<vmem_shared>>
      tpu.wait_dma2 semaphore(%run_scoped3A : memref<!tpu.dma_semaphore, #tpu.memory_space<semaphore_mem>>) src(%dma_wait3A_26 : memref<656x128xf32, #tpu.memory_space<vmem_shared>>) dst(%dma_wait3A_24 : memref<656x128xf32, #tpu.memory_space<hbm>>)
      tpu.yield
    }) : () -> ()
    return
  }
}

#map = affine_map<(d0, d1) -> (0, 0, 0)>
#map1 = affine_map<(d0, d1) -> (0, 0)>
module attributes {stable_mosaic.version = 14 : i64} {
  func.func @_agg_body(%arg0: i32, %arg1: i32, %arg2: memref<2x10496x128xf32, #tpu.memory_space<hbm>>, %arg3: memref<16x80x128xi32, #tpu.memory_space<hbm>>, %arg4: memref<16x80x128xi32, #tpu.memory_space<hbm>>, %arg5: memref<10496x128xf32, #tpu.memory_space<hbm>>, %arg6: memref<2x10496x128xf32, #tpu.memory_space<hbm>>, %arg7: memref<40x128xi32, #tpu.memory_space<vmem>>, %arg8: memref<40x128xi32, #tpu.memory_space<vmem>>, %arg9: memref<128x128xf32, #tpu.memory_space<vmem>>, %arg10: memref<128x128xf32, #tpu.memory_space<vmem>>, %arg11: memref<!tpu.dma_semaphore, #tpu.memory_space<semaphore_mem>>, %arg12: memref<!tpu.dma_semaphore, #tpu.memory_space<semaphore_mem>>, %arg13: memref<10496x128xf32, #tpu.memory_space<vmem_shared>>) attributes {dimension_semantics = [#tpu.dimension_semantics<core_parallel>, #tpu.dimension_semantics<subcore_parallel>], iteration_bounds = array<i64: 2, 16>, scalar_prefetch = 0 : i64, scratch_operands = 7 : i64, tpu.core_type = #tpu.core_type<sc_vector_subcore>, window_params = [{transform_indices = #map}, {transform_indices = #map}, {transform_indices = #map}, {transform_indices = #map1}, {transform_indices = #map}]} {
    %mul3A = arith.constant 656 : i32
    %mul3A_0 = arith.muli %arg1, %mul3A : i32
    %mul3A_1 = arith.constant 656 : i32
    %mul3A_2 = arith.muli %arg1, %mul3A_1 : i32
    "tpu.region"() ({
      %run_scoped3A = tpu.sem_alloc : memref<!tpu.dma_semaphore, #tpu.memory_space<semaphore_mem>>
      %dma_start3A = arith.constant 0 : i32
      %dma_start3A_13 = tpu.memref_slice %arg13[%mul3A_2, %dma_start3A] : memref<10496x128xf32, #tpu.memory_space<vmem_shared>> -> memref<656x128xf32, #tpu.memory_space<vmem_shared>>
      %dma_start3A_14 = arith.constant 0 : i32
      %dma_start3A_15 = tpu.memref_slice %arg5[%mul3A_0, %dma_start3A_14] : memref<10496x128xf32, #tpu.memory_space<hbm>> -> memref<656x128xf32, #tpu.memory_space<hbm>>
      tpu.enqueue_dma source(%dma_start3A_15 : memref<656x128xf32, #tpu.memory_space<hbm>>) target(%dma_start3A_13 : memref<656x128xf32, #tpu.memory_space<vmem_shared>>) target_semaphore(%run_scoped3A : memref<!tpu.dma_semaphore, #tpu.memory_space<semaphore_mem>>)
      %dma_wait3A = arith.constant 0 : i32
      %dma_wait3A_16 = tpu.memref_slice %arg13[%mul3A_2, %dma_wait3A] : memref<10496x128xf32, #tpu.memory_space<vmem_shared>> -> memref<656x128xf32, #tpu.memory_space<vmem_shared>>
      %dma_wait3A_17 = arith.constant 0 : i32
      %dma_wait3A_18 = tpu.memref_slice %arg5[%mul3A_0, %dma_wait3A_17] : memref<10496x128xf32, #tpu.memory_space<hbm>> -> memref<656x128xf32, #tpu.memory_space<hbm>>
      tpu.wait_dma2 semaphore(%run_scoped3A : memref<!tpu.dma_semaphore, #tpu.memory_space<semaphore_mem>>) src(%dma_wait3A_18 : memref<656x128xf32, #tpu.memory_space<hbm>>) dst(%dma_wait3A_16 : memref<656x128xf32, #tpu.memory_space<vmem_shared>>)
      tpu.yield
    }) : () -> ()
    %barrier3A = arith.constant 0 : index
    tpu.barrier barrier_id(%barrier3A)
    %scan3A = arith.constant 0 : i32
    %scan3A_3 = arith.constant 0 : i32
    %scan3A_4 = arith.constant 2 : i32
    %scan3A_5 = arith.addi %scan3A_3, %scan3A_4 : i32
    %scan3A_6 = arith.constant 1 : i32
    scf.for %scan3A_13 = %scan3A_3 to %scan3A_5 step %scan3A_6  : i32 {
      %mul3A_14 = arith.constant 40 : i32
      %mul3A_15 = arith.muli %scan3A_13, %mul3A_14 : i32
      "tpu.region"() ({
        %run_scoped3A = tpu.sem_alloc : memref<!tpu.dma_semaphore, #tpu.memory_space<semaphore_mem>>
        %dma_start3A_45 = arith.constant 0 : i32
        %dma_start3A_46 = tpu.memref_slice %arg3[%arg1, %mul3A_15, %dma_start3A_45] : memref<16x80x128xi32, #tpu.memory_space<hbm>> -> memref<1x40x128xi32, #tpu.memory_space<hbm>>
        %dma_start3A_47 = tpu.memref_squeeze %dma_start3A_46 : memref<1x40x128xi32, #tpu.memory_space<hbm>> -> memref<40x128xi32, #tpu.memory_space<hbm>>
        %dma_start3A_48 = arith.constant 0 : i32
        %dma_start3A_49 = tpu.memref_slice %arg3[%arg1, %mul3A_15, %dma_start3A_48] : memref<16x80x128xi32, #tpu.memory_space<hbm>> -> memref<1x40x128xi32, #tpu.memory_space<hbm>>
        %dma_start3A_50 = tpu.memref_squeeze %dma_start3A_49 : memref<1x40x128xi32, #tpu.memory_space<hbm>> -> memref<40x128xi32, #tpu.memory_space<hbm>>
        tpu.enqueue_dma source(%dma_start3A_50 : memref<40x128xi32, #tpu.memory_space<hbm>>) target(%arg7 : memref<40x128xi32, #tpu.memory_space<vmem>>) target_semaphore(%run_scoped3A : memref<!tpu.dma_semaphore, #tpu.memory_space<semaphore_mem>>)
        %dma_wait3A = arith.constant 0 : i32
        %dma_wait3A_51 = tpu.memref_slice %arg3[%arg1, %mul3A_15, %dma_wait3A] : memref<16x80x128xi32, #tpu.memory_space<hbm>> -> memref<1x40x128xi32, #tpu.memory_space<hbm>>
        %dma_wait3A_52 = tpu.memref_squeeze %dma_wait3A_51 : memref<1x40x128xi32, #tpu.memory_space<hbm>> -> memref<40x128xi32, #tpu.memory_space<hbm>>
        %dma_wait3A_53 = arith.constant 0 : i32
        %dma_wait3A_54 = tpu.memref_slice %arg3[%arg1, %mul3A_15, %dma_wait3A_53] : memref<16x80x128xi32, #tpu.memory_space<hbm>> -> memref<1x40x128xi32, #tpu.memory_space<hbm>>
        %dma_wait3A_55 = tpu.memref_squeeze %dma_wait3A_54 : memref<1x40x128xi32, #tpu.memory_space<hbm>> -> memref<40x128xi32, #tpu.memory_space<hbm>>
        tpu.wait_dma2 semaphore(%run_scoped3A : memref<!tpu.dma_semaphore, #tpu.memory_space<semaphore_mem>>) src(%dma_wait3A_55 : memref<40x128xi32, #tpu.memory_space<hbm>>) dst(%arg7 : memref<40x128xi32, #tpu.memory_space<vmem>>)
        tpu.yield
      }) : () -> ()
      %mul3A_16 = arith.constant 40 : i32
      %mul3A_17 = arith.muli %scan3A_13, %mul3A_16 : i32
      "tpu.region"() ({
        %run_scoped3A = tpu.sem_alloc : memref<!tpu.dma_semaphore, #tpu.memory_space<semaphore_mem>>
        %dma_start3A_45 = arith.constant 0 : i32
        %dma_start3A_46 = tpu.memref_slice %arg4[%arg1, %mul3A_17, %dma_start3A_45] : memref<16x80x128xi32, #tpu.memory_space<hbm>> -> memref<1x40x128xi32, #tpu.memory_space<hbm>>
        %dma_start3A_47 = tpu.memref_squeeze %dma_start3A_46 : memref<1x40x128xi32, #tpu.memory_space<hbm>> -> memref<40x128xi32, #tpu.memory_space<hbm>>
        %dma_start3A_48 = arith.constant 0 : i32
        %dma_start3A_49 = tpu.memref_slice %arg4[%arg1, %mul3A_17, %dma_start3A_48] : memref<16x80x128xi32, #tpu.memory_space<hbm>> -> memref<1x40x128xi32, #tpu.memory_space<hbm>>
        %dma_start3A_50 = tpu.memref_squeeze %dma_start3A_49 : memref<1x40x128xi32, #tpu.memory_space<hbm>> -> memref<40x128xi32, #tpu.memory_space<hbm>>
        tpu.enqueue_dma source(%dma_start3A_50 : memref<40x128xi32, #tpu.memory_space<hbm>>) target(%arg8 : memref<40x128xi32, #tpu.memory_space<vmem>>) target_semaphore(%run_scoped3A : memref<!tpu.dma_semaphore, #tpu.memory_space<semaphore_mem>>)
        %dma_wait3A = arith.constant 0 : i32
        %dma_wait3A_51 = tpu.memref_slice %arg4[%arg1, %mul3A_17, %dma_wait3A] : memref<16x80x128xi32, #tpu.memory_space<hbm>> -> memref<1x40x128xi32, #tpu.memory_space<hbm>>
        %dma_wait3A_52 = tpu.memref_squeeze %dma_wait3A_51 : memref<1x40x128xi32, #tpu.memory_space<hbm>> -> memref<40x128xi32, #tpu.memory_space<hbm>>
        %dma_wait3A_53 = arith.constant 0 : i32
        %dma_wait3A_54 = tpu.memref_slice %arg4[%arg1, %mul3A_17, %dma_wait3A_53] : memref<16x80x128xi32, #tpu.memory_space<hbm>> -> memref<1x40x128xi32, #tpu.memory_space<hbm>>
        %dma_wait3A_55 = tpu.memref_squeeze %dma_wait3A_54 : memref<1x40x128xi32, #tpu.memory_space<hbm>> -> memref<40x128xi32, #tpu.memory_space<hbm>>
        tpu.wait_dma2 semaphore(%run_scoped3A : memref<!tpu.dma_semaphore, #tpu.memory_space<semaphore_mem>>) src(%dma_wait3A_55 : memref<40x128xi32, #tpu.memory_space<hbm>>) dst(%arg8 : memref<40x128xi32, #tpu.memory_space<vmem>>)
        tpu.yield
      }) : () -> ()
      %dma_start3A = arith.constant 0 : i32
      %dma_start3A_18 = arith.constant 0 : i32
      %dma_start3A_19 = tpu.memref_slice %arg7[%dma_start3A, %dma_start3A_18] : memref<40x128xi32, #tpu.memory_space<vmem>> -> memref<1x128xi32, #tpu.memory_space<vmem>>
      %dma_start3A_20 = tpu.memref_squeeze %dma_start3A_19 : memref<1x128xi32, #tpu.memory_space<vmem>> -> memref<128xi32, #tpu.memory_space<vmem>>
      %dma_start3A_21 = arith.constant 0 : i32
      %dma_start3A_22 = arith.constant 0 : i32
      %dma_start3A_23 = tpu.memref_slice %arg2[%arg0, %dma_start3A_21, %dma_start3A_22] : memref<2x10496x128xf32, #tpu.memory_space<hbm>> -> memref<1x10496x128xf32, #tpu.memory_space<hbm>>
      %dma_start3A_24 = tpu.memref_squeeze %dma_start3A_23 : memref<1x10496x128xf32, #tpu.memory_space<hbm>> -> memref<10496x128xf32, #tpu.memory_space<hbm>>
      %dma_start3A_25 = arith.constant 0 : i32
      %dma_start3A_26 = arith.constant 0 : i32
      %dma_start3A_27 = tpu.memref_slice %dma_start3A_24[%dma_start3A_25, %dma_start3A_26] : memref<10496x128xf32, #tpu.memory_space<hbm>> -> memref<10496x128xf32, #tpu.memory_space<hbm>>
      tpu.enqueue_indirect_dma source(%dma_start3A_27 : memref<10496x128xf32, #tpu.memory_space<hbm>>) target(%arg9 : memref<128x128xf32, #tpu.memory_space<vmem>>) offsets(%dma_start3A_20 : memref<128xi32, #tpu.memory_space<vmem>>) semaphore(%arg11 : memref<!tpu.dma_semaphore, #tpu.memory_space<semaphore_mem>>)
      %dma_start3A_28 = arith.constant 1 : i32
      %dma_start3A_29 = arith.constant 0 : i32
      %dma_start3A_30 = tpu.memref_slice %arg7[%dma_start3A_28, %dma_start3A_29] : memref<40x128xi32, #tpu.memory_space<vmem>> -> memref<1x128xi32, #tpu.memory_space<vmem>>
      %dma_start3A_31 = tpu.memref_squeeze %dma_start3A_30 : memref<1x128xi32, #tpu.memory_space<vmem>> -> memref<128xi32, #tpu.memory_space<vmem>>
      %dma_start3A_32 = arith.constant 0 : i32
      %dma_start3A_33 = arith.constant 0 : i32
      %dma_start3A_34 = tpu.memref_slice %arg2[%arg0, %dma_start3A_32, %dma_start3A_33] : memref<2x10496x128xf32, #tpu.memory_space<hbm>> -> memref<1x10496x128xf32, #tpu.memory_space<hbm>>
      %dma_start3A_35 = tpu.memref_squeeze %dma_start3A_34 : memref<1x10496x128xf32, #tpu.memory_space<hbm>> -> memref<10496x128xf32, #tpu.memory_space<hbm>>
      %dma_start3A_36 = arith.constant 0 : i32
      %dma_start3A_37 = arith.constant 0 : i32
      %dma_start3A_38 = tpu.memref_slice %dma_start3A_35[%dma_start3A_36, %dma_start3A_37] : memref<10496x128xf32, #tpu.memory_space<hbm>> -> memref<10496x128xf32, #tpu.memory_space<hbm>>
      tpu.enqueue_indirect_dma source(%dma_start3A_38 : memref<10496x128xf32, #tpu.memory_space<hbm>>) target(%arg10 : memref<128x128xf32, #tpu.memory_space<vmem>>) offsets(%dma_start3A_31 : memref<128xi32, #tpu.memory_space<vmem>>) semaphore(%arg12 : memref<!tpu.dma_semaphore, #tpu.memory_space<semaphore_mem>>)
      %scan3A_39 = arith.constant 0 : i32
      %scan3A_40 = arith.constant 0 : i32
      %scan3A_41 = arith.constant 20 : i32
      %scan3A_42 = arith.addi %scan3A_40, %scan3A_41 : i32
      %scan3A_43 = arith.constant 1 : i32
      scf.for %scan3A_45 = %scan3A_40 to %scan3A_42 step %scan3A_43  : i32 {
        %mul3A_46 = arith.constant 2 : i32
        %mul3A_47 = arith.muli %scan3A_45, %mul3A_46 : i32
        %add3A = arith.constant 0 : i32
        %add3A_48 = arith.addi %mul3A_47, %add3A : i32
        %dma_wait3A = arith.constant 0 : i32
        %dma_wait3A_49 = tpu.memref_slice %arg7[%add3A_48, %dma_wait3A] : memref<40x128xi32, #tpu.memory_space<vmem>> -> memref<1x128xi32, #tpu.memory_space<vmem>>
        %dma_wait3A_50 = tpu.memref_squeeze %dma_wait3A_49 : memref<1x128xi32, #tpu.memory_space<vmem>> -> memref<128xi32, #tpu.memory_space<vmem>>
        %dma_wait3A_51 = arith.constant 0 : i32
        %dma_wait3A_52 = arith.constant 0 : i32
        %dma_wait3A_53 = tpu.memref_slice %arg2[%arg0, %dma_wait3A_51, %dma_wait3A_52] : memref<2x10496x128xf32, #tpu.memory_space<hbm>> -> memref<1x10496x128xf32, #tpu.memory_space<hbm>>
        %dma_wait3A_54 = tpu.memref_squeeze %dma_wait3A_53 : memref<1x10496x128xf32, #tpu.memory_space<hbm>> -> memref<10496x128xf32, #tpu.memory_space<hbm>>
        %dma_wait3A_55 = arith.constant 0 : i32
        %dma_wait3A_56 = arith.constant 0 : i32
        %dma_wait3A_57 = tpu.memref_slice %dma_wait3A_54[%dma_wait3A_55, %dma_wait3A_56] : memref<10496x128xf32, #tpu.memory_space<hbm>> -> memref<10496x128xf32, #tpu.memory_space<hbm>>
        tpu.wait_indirect_dma semaphore(%arg11 : memref<!tpu.dma_semaphore, #tpu.memory_space<semaphore_mem>>) src(%dma_wait3A_57 : memref<10496x128xf32, #tpu.memory_space<hbm>>) dst(%arg9 : memref<128x128xf32, #tpu.memory_space<vmem>>)
        %add3A_58 = arith.constant 0 : i32
        %add3A_59 = arith.addi %mul3A_47, %add3A_58 : i32
        "tpu.region"() ({
          %run_scoped3A = tpu.sem_alloc : memref<!tpu.dma_semaphore, #tpu.memory_space<semaphore_mem>>
          %dma_start3A_89 = arith.constant 0 : i32
          %dma_start3A_90 = tpu.memref_slice %arg8[%add3A_59, %dma_start3A_89] : memref<40x128xi32, #tpu.memory_space<vmem>> -> memref<1x128xi32, #tpu.memory_space<vmem>>
          %dma_start3A_91 = tpu.memref_squeeze %dma_start3A_90 : memref<1x128xi32, #tpu.memory_space<vmem>> -> memref<128xi32, #tpu.memory_space<vmem>>
          %dma_start3A_92 = arith.constant 0 : i32
          %dma_start3A_93 = arith.constant 0 : i32
          %dma_start3A_94 = tpu.memref_slice %arg13[%dma_start3A_92, %dma_start3A_93] : memref<10496x128xf32, #tpu.memory_space<vmem_shared>> -> memref<10496x128xf32, #tpu.memory_space<vmem_shared>>
          tpu.enqueue_indirect_dma source(%arg9 : memref<128x128xf32, #tpu.memory_space<vmem>>) target(%dma_start3A_94 : memref<10496x128xf32, #tpu.memory_space<vmem_shared>>) offsets(%dma_start3A_91 : memref<128xi32, #tpu.memory_space<vmem>>) semaphore(%run_scoped3A : memref<!tpu.dma_semaphore, #tpu.memory_space<semaphore_mem>>) {add = true}
          %dma_wait3A_95 = arith.constant 0 : i32
          %dma_wait3A_96 = tpu.memref_slice %arg8[%add3A_59, %dma_wait3A_95] : memref<40x128xi32, #tpu.memory_space<vmem>> -> memref<1x128xi32, #tpu.memory_space<vmem>>
          %dma_wait3A_97 = tpu.memref_squeeze %dma_wait3A_96 : memref<1x128xi32, #tpu.memory_space<vmem>> -> memref<128xi32, #tpu.memory_space<vmem>>
          %dma_wait3A_98 = arith.constant 0 : i32
          %dma_wait3A_99 = arith.constant 0 : i32
          %dma_wait3A_100 = tpu.memref_slice %arg13[%dma_wait3A_98, %dma_wait3A_99] : memref<10496x128xf32, #tpu.memory_space<vmem_shared>> -> memref<10496x128xf32, #tpu.memory_space<vmem_shared>>
          tpu.wait_indirect_dma semaphore(%run_scoped3A : memref<!tpu.dma_semaphore, #tpu.memory_space<semaphore_mem>>) src(%arg9 : memref<128x128xf32, #tpu.memory_space<vmem>>) dst(%dma_wait3A_100 : memref<10496x128xf32, #tpu.memory_space<vmem_shared>>)
          tpu.yield
        }) : () -> ()
        %add3A_60 = arith.constant 0 : i32
        %add3A_61 = arith.addi %mul3A_47, %add3A_60 : i32
        %add3A_62 = arith.constant 2 : i32
        %add3A_63 = arith.addi %add3A_61, %add3A_62 : i32
        %lt3A = arith.constant 40 : i32
        %lt3A_64 = arith.cmpi slt, %add3A_63, %lt3A : i32
        %convert_element_type3A = arith.extui %lt3A_64 : i1 to i32
        %cond3A = arith.constant 0 : i32
        %cond3A_65 = arith.cmpi ne, %convert_element_type3A, %cond3A : i32
        scf.if %cond3A_65 {
          %add3A_89 = arith.constant 0 : i32
          %add3A_90 = arith.addi %mul3A_47, %add3A_89 : i32
          %add3A_91 = arith.constant 2 : i32
          %add3A_92 = arith.addi %add3A_90, %add3A_91 : i32
          %dma_start3A_93 = arith.constant 0 : i32
          %dma_start3A_94 = tpu.memref_slice %arg7[%add3A_92, %dma_start3A_93] : memref<40x128xi32, #tpu.memory_space<vmem>> -> memref<1x128xi32, #tpu.memory_space<vmem>>
          %dma_start3A_95 = tpu.memref_squeeze %dma_start3A_94 : memref<1x128xi32, #tpu.memory_space<vmem>> -> memref<128xi32, #tpu.memory_space<vmem>>
          %dma_start3A_96 = arith.constant 0 : i32
          %dma_start3A_97 = arith.constant 0 : i32
          %dma_start3A_98 = tpu.memref_slice %arg2[%arg0, %dma_start3A_96, %dma_start3A_97] : memref<2x10496x128xf32, #tpu.memory_space<hbm>> -> memref<1x10496x128xf32, #tpu.memory_space<hbm>>
          %dma_start3A_99 = tpu.memref_squeeze %dma_start3A_98 : memref<1x10496x128xf32, #tpu.memory_space<hbm>> -> memref<10496x128xf32, #tpu.memory_space<hbm>>
          %dma_start3A_100 = arith.constant 0 : i32
          %dma_start3A_101 = arith.constant 0 : i32
          %dma_start3A_102 = tpu.memref_slice %dma_start3A_99[%dma_start3A_100, %dma_start3A_101] : memref<10496x128xf32, #tpu.memory_space<hbm>> -> memref<10496x128xf32, #tpu.memory_space<hbm>>
          tpu.enqueue_indirect_dma source(%dma_start3A_102 : memref<10496x128xf32, #tpu.memory_space<hbm>>) target(%arg9 : memref<128x128xf32, #tpu.memory_space<vmem>>) offsets(%dma_start3A_95 : memref<128xi32, #tpu.memory_space<vmem>>) semaphore(%arg11 : memref<!tpu.dma_semaphore, #tpu.memory_space<semaphore_mem>>)
        } else {
        }
        %add3A_66 = arith.constant 1 : i32
        %add3A_67 = arith.addi %mul3A_47, %add3A_66 : i32
        %dma_wait3A_68 = arith.constant 0 : i32
        %dma_wait3A_69 = tpu.memref_slice %arg7[%add3A_67, %dma_wait3A_68] : memref<40x128xi32, #tpu.memory_space<vmem>> -> memref<1x128xi32, #tpu.memory_space<vmem>>
        %dma_wait3A_70 = tpu.memref_squeeze %dma_wait3A_69 : memref<1x128xi32, #tpu.memory_space<vmem>> -> memref<128xi32, #tpu.memory_space<vmem>>
        %dma_wait3A_71 = arith.constant 0 : i32
        %dma_wait3A_72 = arith.constant 0 : i32
        %dma_wait3A_73 = tpu.memref_slice %arg2[%arg0, %dma_wait3A_71, %dma_wait3A_72] : memref<2x10496x128xf32, #tpu.memory_space<hbm>> -> memref<1x10496x128xf32, #tpu.memory_space<hbm>>
        %dma_wait3A_74 = tpu.memref_squeeze %dma_wait3A_73 : memref<1x10496x128xf32, #tpu.memory_space<hbm>> -> memref<10496x128xf32, #tpu.memory_space<hbm>>
        %dma_wait3A_75 = arith.constant 0 : i32
        %dma_wait3A_76 = arith.constant 0 : i32
        %dma_wait3A_77 = tpu.memref_slice %dma_wait3A_74[%dma_wait3A_75, %dma_wait3A_76] : memref<10496x128xf32, #tpu.memory_space<hbm>> -> memref<10496x128xf32, #tpu.memory_space<hbm>>
        tpu.wait_indirect_dma semaphore(%arg12 : memref<!tpu.dma_semaphore, #tpu.memory_space<semaphore_mem>>) src(%dma_wait3A_77 : memref<10496x128xf32, #tpu.memory_space<hbm>>) dst(%arg10 : memref<128x128xf32, #tpu.memory_space<vmem>>)
        %add3A_78 = arith.constant 1 : i32
        %add3A_79 = arith.addi %mul3A_47, %add3A_78 : i32
        "tpu.region"() ({
          %run_scoped3A = tpu.sem_alloc : memref<!tpu.dma_semaphore, #tpu.memory_space<semaphore_mem>>
          %dma_start3A_89 = arith.constant 0 : i32
          %dma_start3A_90 = tpu.memref_slice %arg8[%add3A_79, %dma_start3A_89] : memref<40x128xi32, #tpu.memory_space<vmem>> -> memref<1x128xi32, #tpu.memory_space<vmem>>
          %dma_start3A_91 = tpu.memref_squeeze %dma_start3A_90 : memref<1x128xi32, #tpu.memory_space<vmem>> -> memref<128xi32, #tpu.memory_space<vmem>>
          %dma_start3A_92 = arith.constant 0 : i32
          %dma_start3A_93 = arith.constant 0 : i32
          %dma_start3A_94 = tpu.memref_slice %arg13[%dma_start3A_92, %dma_start3A_93] : memref<10496x128xf32, #tpu.memory_space<vmem_shared>> -> memref<10496x128xf32, #tpu.memory_space<vmem_shared>>
          tpu.enqueue_indirect_dma source(%arg10 : memref<128x128xf32, #tpu.memory_space<vmem>>) target(%dma_start3A_94 : memref<10496x128xf32, #tpu.memory_space<vmem_shared>>) offsets(%dma_start3A_91 : memref<128xi32, #tpu.memory_space<vmem>>) semaphore(%run_scoped3A : memref<!tpu.dma_semaphore, #tpu.memory_space<semaphore_mem>>) {add = true}
          %dma_wait3A_95 = arith.constant 0 : i32
          %dma_wait3A_96 = tpu.memref_slice %arg8[%add3A_79, %dma_wait3A_95] : memref<40x128xi32, #tpu.memory_space<vmem>> -> memref<1x128xi32, #tpu.memory_space<vmem>>
          %dma_wait3A_97 = tpu.memref_squeeze %dma_wait3A_96 : memref<1x128xi32, #tpu.memory_space<vmem>> -> memref<128xi32, #tpu.memory_space<vmem>>
          %dma_wait3A_98 = arith.constant 0 : i32
          %dma_wait3A_99 = arith.constant 0 : i32
          %dma_wait3A_100 = tpu.memref_slice %arg13[%dma_wait3A_98, %dma_wait3A_99] : memref<10496x128xf32, #tpu.memory_space<vmem_shared>> -> memref<10496x128xf32, #tpu.memory_space<vmem_shared>>
          tpu.wait_indirect_dma semaphore(%run_scoped3A : memref<!tpu.dma_semaphore, #tpu.memory_space<semaphore_mem>>) src(%arg10 : memref<128x128xf32, #tpu.memory_space<vmem>>) dst(%dma_wait3A_100 : memref<10496x128xf32, #tpu.memory_space<vmem_shared>>)
          tpu.yield
        }) : () -> ()
        %add3A_80 = arith.constant 1 : i32
        %add3A_81 = arith.addi %mul3A_47, %add3A_80 : i32
        %add3A_82 = arith.constant 2 : i32
        %add3A_83 = arith.addi %add3A_81, %add3A_82 : i32
        %lt3A_84 = arith.constant 40 : i32
        %lt3A_85 = arith.cmpi slt, %add3A_83, %lt3A_84 : i32
        %convert_element_type3A_86 = arith.extui %lt3A_85 : i1 to i32
        %cond3A_87 = arith.constant 0 : i32
        %cond3A_88 = arith.cmpi ne, %convert_element_type3A_86, %cond3A_87 : i32
        scf.if %cond3A_88 {
          %add3A_89 = arith.constant 1 : i32
          %add3A_90 = arith.addi %mul3A_47, %add3A_89 : i32
          %add3A_91 = arith.constant 2 : i32
          %add3A_92 = arith.addi %add3A_90, %add3A_91 : i32
          %dma_start3A_93 = arith.constant 0 : i32
          %dma_start3A_94 = tpu.memref_slice %arg7[%add3A_92, %dma_start3A_93] : memref<40x128xi32, #tpu.memory_space<vmem>> -> memref<1x128xi32, #tpu.memory_space<vmem>>
          %dma_start3A_95 = tpu.memref_squeeze %dma_start3A_94 : memref<1x128xi32, #tpu.memory_space<vmem>> -> memref<128xi32, #tpu.memory_space<vmem>>
          %dma_start3A_96 = arith.constant 0 : i32
          %dma_start3A_97 = arith.constant 0 : i32
          %dma_start3A_98 = tpu.memref_slice %arg2[%arg0, %dma_start3A_96, %dma_start3A_97] : memref<2x10496x128xf32, #tpu.memory_space<hbm>> -> memref<1x10496x128xf32, #tpu.memory_space<hbm>>
          %dma_start3A_99 = tpu.memref_squeeze %dma_start3A_98 : memref<1x10496x128xf32, #tpu.memory_space<hbm>> -> memref<10496x128xf32, #tpu.memory_space<hbm>>
          %dma_start3A_100 = arith.constant 0 : i32
          %dma_start3A_101 = arith.constant 0 : i32
          %dma_start3A_102 = tpu.memref_slice %dma_start3A_99[%dma_start3A_100, %dma_start3A_101] : memref<10496x128xf32, #tpu.memory_space<hbm>> -> memref<10496x128xf32, #tpu.memory_space<hbm>>
          tpu.enqueue_indirect_dma source(%dma_start3A_102 : memref<10496x128xf32, #tpu.memory_space<hbm>>) target(%arg10 : memref<128x128xf32, #tpu.memory_space<vmem>>) offsets(%dma_start3A_95 : memref<128xi32, #tpu.memory_space<vmem>>) semaphore(%arg12 : memref<!tpu.dma_semaphore, #tpu.memory_space<semaphore_mem>>)
        } else {
        }
      }
      %scan3A_44 = arith.constant 20 : i32
    }
    %scan3A_7 = arith.constant 2 : i32
    %barrier3A_8 = arith.constant 0 : index
    tpu.barrier barrier_id(%barrier3A_8)
    %mul3A_9 = arith.constant 656 : i32
    %mul3A_10 = arith.muli %arg1, %mul3A_9 : i32
    %mul3A_11 = arith.constant 656 : i32
    %mul3A_12 = arith.muli %arg1, %mul3A_11 : i32
    "tpu.region"() ({
      %run_scoped3A = tpu.sem_alloc : memref<!tpu.dma_semaphore, #tpu.memory_space<semaphore_mem>>
      %dma_start3A = arith.constant 0 : i32
      %dma_start3A_13 = arith.constant 0 : i32
      %dma_start3A_14 = tpu.memref_slice %arg6[%arg0, %dma_start3A, %dma_start3A_13] : memref<2x10496x128xf32, #tpu.memory_space<hbm>> -> memref<1x10496x128xf32, #tpu.memory_space<hbm>>
      %dma_start3A_15 = tpu.memref_squeeze %dma_start3A_14 : memref<1x10496x128xf32, #tpu.memory_space<hbm>> -> memref<10496x128xf32, #tpu.memory_space<hbm>>
      %dma_start3A_16 = arith.constant 0 : i32
      %dma_start3A_17 = tpu.memref_slice %dma_start3A_15[%mul3A_12, %dma_start3A_16] : memref<10496x128xf32, #tpu.memory_space<hbm>> -> memref<656x128xf32, #tpu.memory_space<hbm>>
      %dma_start3A_18 = arith.constant 0 : i32
      %dma_start3A_19 = tpu.memref_slice %arg13[%mul3A_10, %dma_start3A_18] : memref<10496x128xf32, #tpu.memory_space<vmem_shared>> -> memref<656x128xf32, #tpu.memory_space<vmem_shared>>
      tpu.enqueue_dma source(%dma_start3A_19 : memref<656x128xf32, #tpu.memory_space<vmem_shared>>) target(%dma_start3A_17 : memref<656x128xf32, #tpu.memory_space<hbm>>) target_semaphore(%run_scoped3A : memref<!tpu.dma_semaphore, #tpu.memory_space<semaphore_mem>>)
      %dma_wait3A = arith.constant 0 : i32
      %dma_wait3A_20 = arith.constant 0 : i32
      %dma_wait3A_21 = tpu.memref_slice %arg6[%arg0, %dma_wait3A, %dma_wait3A_20] : memref<2x10496x128xf32, #tpu.memory_space<hbm>> -> memref<1x10496x128xf32, #tpu.memory_space<hbm>>
      %dma_wait3A_22 = tpu.memref_squeeze %dma_wait3A_21 : memref<1x10496x128xf32, #tpu.memory_space<hbm>> -> memref<10496x128xf32, #tpu.memory_space<hbm>>
      %dma_wait3A_23 = arith.constant 0 : i32
      %dma_wait3A_24 = tpu.memref_slice %dma_wait3A_22[%mul3A_12, %dma_wait3A_23] : memref<10496x128xf32, #tpu.memory_space<hbm>> -> memref<656x128xf32, #tpu.memory_space<hbm>>
      %dma_wait3A_25 = arith.constant 0 : i32
      %dma_wait3A_26 = tpu.memref_slice %arg13[%mul3A_10, %dma_wait3A_25] : memref<10496x128xf32, #tpu.memory_space<vmem_shared>> -> memref<656x128xf32, #tpu.memory_space<vmem_shared>>
      tpu.wait_dma2 semaphore(%run_scoped3A : memref<!tpu.dma_semaphore, #tpu.memory_space<semaphore_mem>>) src(%dma_wait3A_26 : memref<656x128xf32, #tpu.memory_space<vmem_shared>>) dst(%dma_wait3A_24 : memref<656x128xf32, #tpu.memory_space<hbm>>)
      tpu.yield
    }) : () -> ()
    return
  }
}

#map = affine_map<(d0, d1) -> (0, 0, 0)>
#map1 = affine_map<(d0, d1) -> (0, 0)>
module attributes {stable_mosaic.version = 14 : i64} {
  func.func @_agg_body(%arg0: i32, %arg1: i32, %arg2: memref<2x10496x128xf32, #tpu.memory_space<hbm>>, %arg3: memref<16x80x128xi32, #tpu.memory_space<hbm>>, %arg4: memref<16x80x128xi32, #tpu.memory_space<hbm>>, %arg5: memref<10496x128xf32, #tpu.memory_space<hbm>>, %arg6: memref<2x10496x128xf32, #tpu.memory_space<hbm>>, %arg7: memref<40x128xi32, #tpu.memory_space<vmem>>, %arg8: memref<40x128xi32, #tpu.memory_space<vmem>>, %arg9: memref<128x128xf32, #tpu.memory_space<vmem>>, %arg10: memref<128x128xf32, #tpu.memory_space<vmem>>, %arg11: memref<!tpu.dma_semaphore, #tpu.memory_space<semaphore_mem>>, %arg12: memref<!tpu.dma_semaphore, #tpu.memory_space<semaphore_mem>>, %arg13: memref<10496x128xf32, #tpu.memory_space<vmem_shared>>) attributes {dimension_semantics = [#tpu.dimension_semantics<core_parallel>, #tpu.dimension_semantics<subcore_parallel>], iteration_bounds = array<i64: 2, 16>, scalar_prefetch = 0 : i64, scratch_operands = 7 : i64, tpu.core_type = #tpu.core_type<sc_vector_subcore>, window_params = [{transform_indices = #map}, {transform_indices = #map}, {transform_indices = #map}, {transform_indices = #map1}, {transform_indices = #map}]} {
    %mul3A = arith.constant 656 : i32
    %mul3A_0 = arith.muli %arg1, %mul3A : i32
    %mul3A_1 = arith.constant 656 : i32
    %mul3A_2 = arith.muli %arg1, %mul3A_1 : i32
    "tpu.region"() ({
      %run_scoped3A = tpu.sem_alloc : memref<!tpu.dma_semaphore, #tpu.memory_space<semaphore_mem>>
      %dma_start3A = arith.constant 0 : i32
      %dma_start3A_13 = tpu.memref_slice %arg13[%mul3A_2, %dma_start3A] : memref<10496x128xf32, #tpu.memory_space<vmem_shared>> -> memref<656x128xf32, #tpu.memory_space<vmem_shared>>
      %dma_start3A_14 = arith.constant 0 : i32
      %dma_start3A_15 = tpu.memref_slice %arg5[%mul3A_0, %dma_start3A_14] : memref<10496x128xf32, #tpu.memory_space<hbm>> -> memref<656x128xf32, #tpu.memory_space<hbm>>
      tpu.enqueue_dma source(%dma_start3A_15 : memref<656x128xf32, #tpu.memory_space<hbm>>) target(%dma_start3A_13 : memref<656x128xf32, #tpu.memory_space<vmem_shared>>) target_semaphore(%run_scoped3A : memref<!tpu.dma_semaphore, #tpu.memory_space<semaphore_mem>>)
      %dma_wait3A = arith.constant 0 : i32
      %dma_wait3A_16 = tpu.memref_slice %arg13[%mul3A_2, %dma_wait3A] : memref<10496x128xf32, #tpu.memory_space<vmem_shared>> -> memref<656x128xf32, #tpu.memory_space<vmem_shared>>
      %dma_wait3A_17 = arith.constant 0 : i32
      %dma_wait3A_18 = tpu.memref_slice %arg5[%mul3A_0, %dma_wait3A_17] : memref<10496x128xf32, #tpu.memory_space<hbm>> -> memref<656x128xf32, #tpu.memory_space<hbm>>
      tpu.wait_dma2 semaphore(%run_scoped3A : memref<!tpu.dma_semaphore, #tpu.memory_space<semaphore_mem>>) src(%dma_wait3A_18 : memref<656x128xf32, #tpu.memory_space<hbm>>) dst(%dma_wait3A_16 : memref<656x128xf32, #tpu.memory_space<vmem_shared>>)
      tpu.yield
    }) : () -> ()
    %barrier3A = arith.constant 0 : index
    tpu.barrier barrier_id(%barrier3A)
    %scan3A = arith.constant 0 : i32
    %scan3A_3 = arith.constant 0 : i32
    %scan3A_4 = arith.constant 2 : i32
    %scan3A_5 = arith.addi %scan3A_3, %scan3A_4 : i32
    %scan3A_6 = arith.constant 1 : i32
    scf.for %scan3A_13 = %scan3A_3 to %scan3A_5 step %scan3A_6  : i32 {
      %mul3A_14 = arith.constant 40 : i32
      %mul3A_15 = arith.muli %scan3A_13, %mul3A_14 : i32
      "tpu.region"() ({
        %run_scoped3A = tpu.sem_alloc : memref<!tpu.dma_semaphore, #tpu.memory_space<semaphore_mem>>
        %dma_start3A_45 = arith.constant 0 : i32
        %dma_start3A_46 = tpu.memref_slice %arg3[%arg1, %mul3A_15, %dma_start3A_45] : memref<16x80x128xi32, #tpu.memory_space<hbm>> -> memref<1x40x128xi32, #tpu.memory_space<hbm>>
        %dma_start3A_47 = tpu.memref_squeeze %dma_start3A_46 : memref<1x40x128xi32, #tpu.memory_space<hbm>> -> memref<40x128xi32, #tpu.memory_space<hbm>>
        %dma_start3A_48 = arith.constant 0 : i32
        %dma_start3A_49 = tpu.memref_slice %arg3[%arg1, %mul3A_15, %dma_start3A_48] : memref<16x80x128xi32, #tpu.memory_space<hbm>> -> memref<1x40x128xi32, #tpu.memory_space<hbm>>
        %dma_start3A_50 = tpu.memref_squeeze %dma_start3A_49 : memref<1x40x128xi32, #tpu.memory_space<hbm>> -> memref<40x128xi32, #tpu.memory_space<hbm>>
        tpu.enqueue_dma source(%dma_start3A_50 : memref<40x128xi32, #tpu.memory_space<hbm>>) target(%arg7 : memref<40x128xi32, #tpu.memory_space<vmem>>) target_semaphore(%run_scoped3A : memref<!tpu.dma_semaphore, #tpu.memory_space<semaphore_mem>>)
        %dma_wait3A = arith.constant 0 : i32
        %dma_wait3A_51 = tpu.memref_slice %arg3[%arg1, %mul3A_15, %dma_wait3A] : memref<16x80x128xi32, #tpu.memory_space<hbm>> -> memref<1x40x128xi32, #tpu.memory_space<hbm>>
        %dma_wait3A_52 = tpu.memref_squeeze %dma_wait3A_51 : memref<1x40x128xi32, #tpu.memory_space<hbm>> -> memref<40x128xi32, #tpu.memory_space<hbm>>
        %dma_wait3A_53 = arith.constant 0 : i32
        %dma_wait3A_54 = tpu.memref_slice %arg3[%arg1, %mul3A_15, %dma_wait3A_53] : memref<16x80x128xi32, #tpu.memory_space<hbm>> -> memref<1x40x128xi32, #tpu.memory_space<hbm>>
        %dma_wait3A_55 = tpu.memref_squeeze %dma_wait3A_54 : memref<1x40x128xi32, #tpu.memory_space<hbm>> -> memref<40x128xi32, #tpu.memory_space<hbm>>
        tpu.wait_dma2 semaphore(%run_scoped3A : memref<!tpu.dma_semaphore, #tpu.memory_space<semaphore_mem>>) src(%dma_wait3A_55 : memref<40x128xi32, #tpu.memory_space<hbm>>) dst(%arg7 : memref<40x128xi32, #tpu.memory_space<vmem>>)
        tpu.yield
      }) : () -> ()
      %mul3A_16 = arith.constant 40 : i32
      %mul3A_17 = arith.muli %scan3A_13, %mul3A_16 : i32
      "tpu.region"() ({
        %run_scoped3A = tpu.sem_alloc : memref<!tpu.dma_semaphore, #tpu.memory_space<semaphore_mem>>
        %dma_start3A_45 = arith.constant 0 : i32
        %dma_start3A_46 = tpu.memref_slice %arg4[%arg1, %mul3A_17, %dma_start3A_45] : memref<16x80x128xi32, #tpu.memory_space<hbm>> -> memref<1x40x128xi32, #tpu.memory_space<hbm>>
        %dma_start3A_47 = tpu.memref_squeeze %dma_start3A_46 : memref<1x40x128xi32, #tpu.memory_space<hbm>> -> memref<40x128xi32, #tpu.memory_space<hbm>>
        %dma_start3A_48 = arith.constant 0 : i32
        %dma_start3A_49 = tpu.memref_slice %arg4[%arg1, %mul3A_17, %dma_start3A_48] : memref<16x80x128xi32, #tpu.memory_space<hbm>> -> memref<1x40x128xi32, #tpu.memory_space<hbm>>
        %dma_start3A_50 = tpu.memref_squeeze %dma_start3A_49 : memref<1x40x128xi32, #tpu.memory_space<hbm>> -> memref<40x128xi32, #tpu.memory_space<hbm>>
        tpu.enqueue_dma source(%dma_start3A_50 : memref<40x128xi32, #tpu.memory_space<hbm>>) target(%arg8 : memref<40x128xi32, #tpu.memory_space<vmem>>) target_semaphore(%run_scoped3A : memref<!tpu.dma_semaphore, #tpu.memory_space<semaphore_mem>>)
        %dma_wait3A = arith.constant 0 : i32
        %dma_wait3A_51 = tpu.memref_slice %arg4[%arg1, %mul3A_17, %dma_wait3A] : memref<16x80x128xi32, #tpu.memory_space<hbm>> -> memref<1x40x128xi32, #tpu.memory_space<hbm>>
        %dma_wait3A_52 = tpu.memref_squeeze %dma_wait3A_51 : memref<1x40x128xi32, #tpu.memory_space<hbm>> -> memref<40x128xi32, #tpu.memory_space<hbm>>
        %dma_wait3A_53 = arith.constant 0 : i32
        %dma_wait3A_54 = tpu.memref_slice %arg4[%arg1, %mul3A_17, %dma_wait3A_53] : memref<16x80x128xi32, #tpu.memory_space<hbm>> -> memref<1x40x128xi32, #tpu.memory_space<hbm>>
        %dma_wait3A_55 = tpu.memref_squeeze %dma_wait3A_54 : memref<1x40x128xi32, #tpu.memory_space<hbm>> -> memref<40x128xi32, #tpu.memory_space<hbm>>
        tpu.wait_dma2 semaphore(%run_scoped3A : memref<!tpu.dma_semaphore, #tpu.memory_space<semaphore_mem>>) src(%dma_wait3A_55 : memref<40x128xi32, #tpu.memory_space<hbm>>) dst(%arg8 : memref<40x128xi32, #tpu.memory_space<vmem>>)
        tpu.yield
      }) : () -> ()
      %dma_start3A = arith.constant 0 : i32
      %dma_start3A_18 = arith.constant 0 : i32
      %dma_start3A_19 = tpu.memref_slice %arg7[%dma_start3A, %dma_start3A_18] : memref<40x128xi32, #tpu.memory_space<vmem>> -> memref<1x128xi32, #tpu.memory_space<vmem>>
      %dma_start3A_20 = tpu.memref_squeeze %dma_start3A_19 : memref<1x128xi32, #tpu.memory_space<vmem>> -> memref<128xi32, #tpu.memory_space<vmem>>
      %dma_start3A_21 = arith.constant 0 : i32
      %dma_start3A_22 = arith.constant 0 : i32
      %dma_start3A_23 = tpu.memref_slice %arg2[%arg0, %dma_start3A_21, %dma_start3A_22] : memref<2x10496x128xf32, #tpu.memory_space<hbm>> -> memref<1x10496x128xf32, #tpu.memory_space<hbm>>
      %dma_start3A_24 = tpu.memref_squeeze %dma_start3A_23 : memref<1x10496x128xf32, #tpu.memory_space<hbm>> -> memref<10496x128xf32, #tpu.memory_space<hbm>>
      %dma_start3A_25 = arith.constant 0 : i32
      %dma_start3A_26 = arith.constant 0 : i32
      %dma_start3A_27 = tpu.memref_slice %dma_start3A_24[%dma_start3A_25, %dma_start3A_26] : memref<10496x128xf32, #tpu.memory_space<hbm>> -> memref<10496x128xf32, #tpu.memory_space<hbm>>
      tpu.enqueue_indirect_dma source(%dma_start3A_27 : memref<10496x128xf32, #tpu.memory_space<hbm>>) target(%arg9 : memref<128x128xf32, #tpu.memory_space<vmem>>) offsets(%dma_start3A_20 : memref<128xi32, #tpu.memory_space<vmem>>) semaphore(%arg11 : memref<!tpu.dma_semaphore, #tpu.memory_space<semaphore_mem>>)
      %dma_start3A_28 = arith.constant 1 : i32
      %dma_start3A_29 = arith.constant 0 : i32
      %dma_start3A_30 = tpu.memref_slice %arg7[%dma_start3A_28, %dma_start3A_29] : memref<40x128xi32, #tpu.memory_space<vmem>> -> memref<1x128xi32, #tpu.memory_space<vmem>>
      %dma_start3A_31 = tpu.memref_squeeze %dma_start3A_30 : memref<1x128xi32, #tpu.memory_space<vmem>> -> memref<128xi32, #tpu.memory_space<vmem>>
      %dma_start3A_32 = arith.constant 0 : i32
      %dma_start3A_33 = arith.constant 0 : i32
      %dma_start3A_34 = tpu.memref_slice %arg2[%arg0, %dma_start3A_32, %dma_start3A_33] : memref<2x10496x128xf32, #tpu.memory_space<hbm>> -> memref<1x10496x128xf32, #tpu.memory_space<hbm>>
      %dma_start3A_35 = tpu.memref_squeeze %dma_start3A_34 : memref<1x10496x128xf32, #tpu.memory_space<hbm>> -> memref<10496x128xf32, #tpu.memory_space<hbm>>
      %dma_start3A_36 = arith.constant 0 : i32
      %dma_start3A_37 = arith.constant 0 : i32
      %dma_start3A_38 = tpu.memref_slice %dma_start3A_35[%dma_start3A_36, %dma_start3A_37] : memref<10496x128xf32, #tpu.memory_space<hbm>> -> memref<10496x128xf32, #tpu.memory_space<hbm>>
      tpu.enqueue_indirect_dma source(%dma_start3A_38 : memref<10496x128xf32, #tpu.memory_space<hbm>>) target(%arg10 : memref<128x128xf32, #tpu.memory_space<vmem>>) offsets(%dma_start3A_31 : memref<128xi32, #tpu.memory_space<vmem>>) semaphore(%arg12 : memref<!tpu.dma_semaphore, #tpu.memory_space<semaphore_mem>>)
      %scan3A_39 = arith.constant 0 : i32
      %scan3A_40 = arith.constant 0 : i32
      %scan3A_41 = arith.constant 20 : i32
      %scan3A_42 = arith.addi %scan3A_40, %scan3A_41 : i32
      %scan3A_43 = arith.constant 1 : i32
      scf.for %scan3A_45 = %scan3A_40 to %scan3A_42 step %scan3A_43  : i32 {
        %mul3A_46 = arith.constant 2 : i32
        %mul3A_47 = arith.muli %scan3A_45, %mul3A_46 : i32
        %add3A = arith.constant 0 : i32
        %add3A_48 = arith.addi %mul3A_47, %add3A : i32
        %dma_wait3A = arith.constant 0 : i32
        %dma_wait3A_49 = tpu.memref_slice %arg7[%add3A_48, %dma_wait3A] : memref<40x128xi32, #tpu.memory_space<vmem>> -> memref<1x128xi32, #tpu.memory_space<vmem>>
        %dma_wait3A_50 = tpu.memref_squeeze %dma_wait3A_49 : memref<1x128xi32, #tpu.memory_space<vmem>> -> memref<128xi32, #tpu.memory_space<vmem>>
        %dma_wait3A_51 = arith.constant 0 : i32
        %dma_wait3A_52 = arith.constant 0 : i32
        %dma_wait3A_53 = tpu.memref_slice %arg2[%arg0, %dma_wait3A_51, %dma_wait3A_52] : memref<2x10496x128xf32, #tpu.memory_space<hbm>> -> memref<1x10496x128xf32, #tpu.memory_space<hbm>>
        %dma_wait3A_54 = tpu.memref_squeeze %dma_wait3A_53 : memref<1x10496x128xf32, #tpu.memory_space<hbm>> -> memref<10496x128xf32, #tpu.memory_space<hbm>>
        %dma_wait3A_55 = arith.constant 0 : i32
        %dma_wait3A_56 = arith.constant 0 : i32
        %dma_wait3A_57 = tpu.memref_slice %dma_wait3A_54[%dma_wait3A_55, %dma_wait3A_56] : memref<10496x128xf32, #tpu.memory_space<hbm>> -> memref<10496x128xf32, #tpu.memory_space<hbm>>
        tpu.wait_indirect_dma semaphore(%arg11 : memref<!tpu.dma_semaphore, #tpu.memory_space<semaphore_mem>>) src(%dma_wait3A_57 : memref<10496x128xf32, #tpu.memory_space<hbm>>) dst(%arg9 : memref<128x128xf32, #tpu.memory_space<vmem>>)
        %add3A_58 = arith.constant 0 : i32
        %add3A_59 = arith.addi %mul3A_47, %add3A_58 : i32
        "tpu.region"() ({
          %run_scoped3A = tpu.sem_alloc : memref<!tpu.dma_semaphore, #tpu.memory_space<semaphore_mem>>
          %dma_start3A_89 = arith.constant 0 : i32
          %dma_start3A_90 = tpu.memref_slice %arg8[%add3A_59, %dma_start3A_89] : memref<40x128xi32, #tpu.memory_space<vmem>> -> memref<1x128xi32, #tpu.memory_space<vmem>>
          %dma_start3A_91 = tpu.memref_squeeze %dma_start3A_90 : memref<1x128xi32, #tpu.memory_space<vmem>> -> memref<128xi32, #tpu.memory_space<vmem>>
          %dma_start3A_92 = arith.constant 0 : i32
          %dma_start3A_93 = arith.constant 0 : i32
          %dma_start3A_94 = tpu.memref_slice %arg13[%dma_start3A_92, %dma_start3A_93] : memref<10496x128xf32, #tpu.memory_space<vmem_shared>> -> memref<10496x128xf32, #tpu.memory_space<vmem_shared>>
          tpu.enqueue_indirect_dma source(%arg9 : memref<128x128xf32, #tpu.memory_space<vmem>>) target(%dma_start3A_94 : memref<10496x128xf32, #tpu.memory_space<vmem_shared>>) offsets(%dma_start3A_91 : memref<128xi32, #tpu.memory_space<vmem>>) semaphore(%run_scoped3A : memref<!tpu.dma_semaphore, #tpu.memory_space<semaphore_mem>>) {add = true}
          %dma_wait3A_95 = arith.constant 0 : i32
          %dma_wait3A_96 = tpu.memref_slice %arg8[%add3A_59, %dma_wait3A_95] : memref<40x128xi32, #tpu.memory_space<vmem>> -> memref<1x128xi32, #tpu.memory_space<vmem>>
          %dma_wait3A_97 = tpu.memref_squeeze %dma_wait3A_96 : memref<1x128xi32, #tpu.memory_space<vmem>> -> memref<128xi32, #tpu.memory_space<vmem>>
          %dma_wait3A_98 = arith.constant 0 : i32
          %dma_wait3A_99 = arith.constant 0 : i32
          %dma_wait3A_100 = tpu.memref_slice %arg13[%dma_wait3A_98, %dma_wait3A_99] : memref<10496x128xf32, #tpu.memory_space<vmem_shared>> -> memref<10496x128xf32, #tpu.memory_space<vmem_shared>>
          tpu.wait_indirect_dma semaphore(%run_scoped3A : memref<!tpu.dma_semaphore, #tpu.memory_space<semaphore_mem>>) src(%arg9 : memref<128x128xf32, #tpu.memory_space<vmem>>) dst(%dma_wait3A_100 : memref<10496x128xf32, #tpu.memory_space<vmem_shared>>)
          tpu.yield
        }) : () -> ()
        %add3A_60 = arith.constant 0 : i32
        %add3A_61 = arith.addi %mul3A_47, %add3A_60 : i32
        %add3A_62 = arith.constant 2 : i32
        %add3A_63 = arith.addi %add3A_61, %add3A_62 : i32
        %lt3A = arith.constant 40 : i32
        %lt3A_64 = arith.cmpi slt, %add3A_63, %lt3A : i32
        %convert_element_type3A = arith.extui %lt3A_64 : i1 to i32
        %cond3A = arith.constant 0 : i32
        %cond3A_65 = arith.cmpi ne, %convert_element_type3A, %cond3A : i32
        scf.if %cond3A_65 {
          %add3A_89 = arith.constant 0 : i32
          %add3A_90 = arith.addi %mul3A_47, %add3A_89 : i32
          %add3A_91 = arith.constant 2 : i32
          %add3A_92 = arith.addi %add3A_90, %add3A_91 : i32
          %dma_start3A_93 = arith.constant 0 : i32
          %dma_start3A_94 = tpu.memref_slice %arg7[%add3A_92, %dma_start3A_93] : memref<40x128xi32, #tpu.memory_space<vmem>> -> memref<1x128xi32, #tpu.memory_space<vmem>>
          %dma_start3A_95 = tpu.memref_squeeze %dma_start3A_94 : memref<1x128xi32, #tpu.memory_space<vmem>> -> memref<128xi32, #tpu.memory_space<vmem>>
          %dma_start3A_96 = arith.constant 0 : i32
          %dma_start3A_97 = arith.constant 0 : i32
          %dma_start3A_98 = tpu.memref_slice %arg2[%arg0, %dma_start3A_96, %dma_start3A_97] : memref<2x10496x128xf32, #tpu.memory_space<hbm>> -> memref<1x10496x128xf32, #tpu.memory_space<hbm>>
          %dma_start3A_99 = tpu.memref_squeeze %dma_start3A_98 : memref<1x10496x128xf32, #tpu.memory_space<hbm>> -> memref<10496x128xf32, #tpu.memory_space<hbm>>
          %dma_start3A_100 = arith.constant 0 : i32
          %dma_start3A_101 = arith.constant 0 : i32
          %dma_start3A_102 = tpu.memref_slice %dma_start3A_99[%dma_start3A_100, %dma_start3A_101] : memref<10496x128xf32, #tpu.memory_space<hbm>> -> memref<10496x128xf32, #tpu.memory_space<hbm>>
          tpu.enqueue_indirect_dma source(%dma_start3A_102 : memref<10496x128xf32, #tpu.memory_space<hbm>>) target(%arg9 : memref<128x128xf32, #tpu.memory_space<vmem>>) offsets(%dma_start3A_95 : memref<128xi32, #tpu.memory_space<vmem>>) semaphore(%arg11 : memref<!tpu.dma_semaphore, #tpu.memory_space<semaphore_mem>>)
        } else {
        }
        %add3A_66 = arith.constant 1 : i32
        %add3A_67 = arith.addi %mul3A_47, %add3A_66 : i32
        %dma_wait3A_68 = arith.constant 0 : i32
        %dma_wait3A_69 = tpu.memref_slice %arg7[%add3A_67, %dma_wait3A_68] : memref<40x128xi32, #tpu.memory_space<vmem>> -> memref<1x128xi32, #tpu.memory_space<vmem>>
        %dma_wait3A_70 = tpu.memref_squeeze %dma_wait3A_69 : memref<1x128xi32, #tpu.memory_space<vmem>> -> memref<128xi32, #tpu.memory_space<vmem>>
        %dma_wait3A_71 = arith.constant 0 : i32
        %dma_wait3A_72 = arith.constant 0 : i32
        %dma_wait3A_73 = tpu.memref_slice %arg2[%arg0, %dma_wait3A_71, %dma_wait3A_72] : memref<2x10496x128xf32, #tpu.memory_space<hbm>> -> memref<1x10496x128xf32, #tpu.memory_space<hbm>>
        %dma_wait3A_74 = tpu.memref_squeeze %dma_wait3A_73 : memref<1x10496x128xf32, #tpu.memory_space<hbm>> -> memref<10496x128xf32, #tpu.memory_space<hbm>>
        %dma_wait3A_75 = arith.constant 0 : i32
        %dma_wait3A_76 = arith.constant 0 : i32
        %dma_wait3A_77 = tpu.memref_slice %dma_wait3A_74[%dma_wait3A_75, %dma_wait3A_76] : memref<10496x128xf32, #tpu.memory_space<hbm>> -> memref<10496x128xf32, #tpu.memory_space<hbm>>
        tpu.wait_indirect_dma semaphore(%arg12 : memref<!tpu.dma_semaphore, #tpu.memory_space<semaphore_mem>>) src(%dma_wait3A_77 : memref<10496x128xf32, #tpu.memory_space<hbm>>) dst(%arg10 : memref<128x128xf32, #tpu.memory_space<vmem>>)
        %add3A_78 = arith.constant 1 : i32
        %add3A_79 = arith.addi %mul3A_47, %add3A_78 : i32
        "tpu.region"() ({
          %run_scoped3A = tpu.sem_alloc : memref<!tpu.dma_semaphore, #tpu.memory_space<semaphore_mem>>
          %dma_start3A_89 = arith.constant 0 : i32
          %dma_start3A_90 = tpu.memref_slice %arg8[%add3A_79, %dma_start3A_89] : memref<40x128xi32, #tpu.memory_space<vmem>> -> memref<1x128xi32, #tpu.memory_space<vmem>>
          %dma_start3A_91 = tpu.memref_squeeze %dma_start3A_90 : memref<1x128xi32, #tpu.memory_space<vmem>> -> memref<128xi32, #tpu.memory_space<vmem>>
          %dma_start3A_92 = arith.constant 0 : i32
          %dma_start3A_93 = arith.constant 0 : i32
          %dma_start3A_94 = tpu.memref_slice %arg13[%dma_start3A_92, %dma_start3A_93] : memref<10496x128xf32, #tpu.memory_space<vmem_shared>> -> memref<10496x128xf32, #tpu.memory_space<vmem_shared>>
          tpu.enqueue_indirect_dma source(%arg10 : memref<128x128xf32, #tpu.memory_space<vmem>>) target(%dma_start3A_94 : memref<10496x128xf32, #tpu.memory_space<vmem_shared>>) offsets(%dma_start3A_91 : memref<128xi32, #tpu.memory_space<vmem>>) semaphore(%run_scoped3A : memref<!tpu.dma_semaphore, #tpu.memory_space<semaphore_mem>>) {add = true}
          %dma_wait3A_95 = arith.constant 0 : i32
          %dma_wait3A_96 = tpu.memref_slice %arg8[%add3A_79, %dma_wait3A_95] : memref<40x128xi32, #tpu.memory_space<vmem>> -> memref<1x128xi32, #tpu.memory_space<vmem>>
          %dma_wait3A_97 = tpu.memref_squeeze %dma_wait3A_96 : memref<1x128xi32, #tpu.memory_space<vmem>> -> memref<128xi32, #tpu.memory_space<vmem>>
          %dma_wait3A_98 = arith.constant 0 : i32
          %dma_wait3A_99 = arith.constant 0 : i32
          %dma_wait3A_100 = tpu.memref_slice %arg13[%dma_wait3A_98, %dma_wait3A_99] : memref<10496x128xf32, #tpu.memory_space<vmem_shared>> -> memref<10496x128xf32, #tpu.memory_space<vmem_shared>>
          tpu.wait_indirect_dma semaphore(%run_scoped3A : memref<!tpu.dma_semaphore, #tpu.memory_space<semaphore_mem>>) src(%arg10 : memref<128x128xf32, #tpu.memory_space<vmem>>) dst(%dma_wait3A_100 : memref<10496x128xf32, #tpu.memory_space<vmem_shared>>)
          tpu.yield
        }) : () -> ()
        %add3A_80 = arith.constant 1 : i32
        %add3A_81 = arith.addi %mul3A_47, %add3A_80 : i32
        %add3A_82 = arith.constant 2 : i32
        %add3A_83 = arith.addi %add3A_81, %add3A_82 : i32
        %lt3A_84 = arith.constant 40 : i32
        %lt3A_85 = arith.cmpi slt, %add3A_83, %lt3A_84 : i32
        %convert_element_type3A_86 = arith.extui %lt3A_85 : i1 to i32
        %cond3A_87 = arith.constant 0 : i32
        %cond3A_88 = arith.cmpi ne, %convert_element_type3A_86, %cond3A_87 : i32
        scf.if %cond3A_88 {
          %add3A_89 = arith.constant 1 : i32
          %add3A_90 = arith.addi %mul3A_47, %add3A_89 : i32
          %add3A_91 = arith.constant 2 : i32
          %add3A_92 = arith.addi %add3A_90, %add3A_91 : i32
          %dma_start3A_93 = arith.constant 0 : i32
          %dma_start3A_94 = tpu.memref_slice %arg7[%add3A_92, %dma_start3A_93] : memref<40x128xi32, #tpu.memory_space<vmem>> -> memref<1x128xi32, #tpu.memory_space<vmem>>
          %dma_start3A_95 = tpu.memref_squeeze %dma_start3A_94 : memref<1x128xi32, #tpu.memory_space<vmem>> -> memref<128xi32, #tpu.memory_space<vmem>>
          %dma_start3A_96 = arith.constant 0 : i32
          %dma_start3A_97 = arith.constant 0 : i32
          %dma_start3A_98 = tpu.memref_slice %arg2[%arg0, %dma_start3A_96, %dma_start3A_97] : memref<2x10496x128xf32, #tpu.memory_space<hbm>> -> memref<1x10496x128xf32, #tpu.memory_space<hbm>>
          %dma_start3A_99 = tpu.memref_squeeze %dma_start3A_98 : memref<1x10496x128xf32, #tpu.memory_space<hbm>> -> memref<10496x128xf32, #tpu.memory_space<hbm>>
          %dma_start3A_100 = arith.constant 0 : i32
          %dma_start3A_101 = arith.constant 0 : i32
          %dma_start3A_102 = tpu.memref_slice %dma_start3A_99[%dma_start3A_100, %dma_start3A_101] : memref<10496x128xf32, #tpu.memory_space<hbm>> -> memref<10496x128xf32, #tpu.memory_space<hbm>>
          tpu.enqueue_indirect_dma source(%dma_start3A_102 : memref<10496x128xf32, #tpu.memory_space<hbm>>) target(%arg10 : memref<128x128xf32, #tpu.memory_space<vmem>>) offsets(%dma_start3A_95 : memref<128xi32, #tpu.memory_space<vmem>>) semaphore(%arg12 : memref<!tpu.dma_semaphore, #tpu.memory_space<semaphore_mem>>)
        } else {
        }
      }
      %scan3A_44 = arith.constant 20 : i32
    }
    %scan3A_7 = arith.constant 2 : i32
    %barrier3A_8 = arith.constant 0 : index
    tpu.barrier barrier_id(%barrier3A_8)
    %mul3A_9 = arith.constant 656 : i32
    %mul3A_10 = arith.muli %arg1, %mul3A_9 : i32
    %mul3A_11 = arith.constant 656 : i32
    %mul3A_12 = arith.muli %arg1, %mul3A_11 : i32
    "tpu.region"() ({
      %run_scoped3A = tpu.sem_alloc : memref<!tpu.dma_semaphore, #tpu.memory_space<semaphore_mem>>
      %dma_start3A = arith.constant 0 : i32
      %dma_start3A_13 = arith.constant 0 : i32
      %dma_start3A_14 = tpu.memref_slice %arg6[%arg0, %dma_start3A, %dma_start3A_13] : memref<2x10496x128xf32, #tpu.memory_space<hbm>> -> memref<1x10496x128xf32, #tpu.memory_space<hbm>>
      %dma_start3A_15 = tpu.memref_squeeze %dma_start3A_14 : memref<1x10496x128xf32, #tpu.memory_space<hbm>> -> memref<10496x128xf32, #tpu.memory_space<hbm>>
      %dma_start3A_16 = arith.constant 0 : i32
      %dma_start3A_17 = tpu.memref_slice %dma_start3A_15[%mul3A_12, %dma_start3A_16] : memref<10496x128xf32, #tpu.memory_space<hbm>> -> memref<656x128xf32, #tpu.memory_space<hbm>>
      %dma_start3A_18 = arith.constant 0 : i32
      %dma_start3A_19 = tpu.memref_slice %arg13[%mul3A_10, %dma_start3A_18] : memref<10496x128xf32, #tpu.memory_space<vmem_shared>> -> memref<656x128xf32, #tpu.memory_space<vmem_shared>>
      tpu.enqueue_dma source(%dma_start3A_19 : memref<656x128xf32, #tpu.memory_space<vmem_shared>>) target(%dma_start3A_17 : memref<656x128xf32, #tpu.memory_space<hbm>>) target_semaphore(%run_scoped3A : memref<!tpu.dma_semaphore, #tpu.memory_space<semaphore_mem>>)
      %dma_wait3A = arith.constant 0 : i32
      %dma_wait3A_20 = arith.constant 0 : i32
      %dma_wait3A_21 = tpu.memref_slice %arg6[%arg0, %dma_wait3A, %dma_wait3A_20] : memref<2x10496x128xf32, #tpu.memory_space<hbm>> -> memref<1x10496x128xf32, #tpu.memory_space<hbm>>
      %dma_wait3A_22 = tpu.memref_squeeze %dma_wait3A_21 : memref<1x10496x128xf32, #tpu.memory_space<hbm>> -> memref<10496x128xf32, #tpu.memory_space<hbm>>
      %dma_wait3A_23 = arith.constant 0 : i32
      %dma_wait3A_24 = tpu.memref_slice %dma_wait3A_22[%mul3A_12, %dma_wait3A_23] : memref<10496x128xf32, #tpu.memory_space<hbm>> -> memref<656x128xf32, #tpu.memory_space<hbm>>
      %dma_wait3A_25 = arith.constant 0 : i32
      %dma_wait3A_26 = tpu.memref_slice %arg13[%mul3A_10, %dma_wait3A_25] : memref<10496x128xf32, #tpu.memory_space<vmem_shared>> -> memref<656x128xf32, #tpu.memory_space<vmem_shared>>
      tpu.wait_dma2 semaphore(%run_scoped3A : memref<!tpu.dma_semaphore, #tpu.memory_space<semaphore_mem>>) src(%dma_wait3A_26 : memref<656x128xf32, #tpu.memory_space<vmem_shared>>) dst(%dma_wait3A_24 : memref<656x128xf32, #tpu.memory_space<hbm>>)
      tpu.yield
    }) : () -> ()
    return
  }
}

module attributes {stable_mosaic.version = 14 : i64} {
  func.func @_mid_kbody(%arg0: i32, %arg1: memref<2x256x128xf32, #tpu.memory_space<vmem>>, %arg2: memref<2x256x128xf32, #tpu.memory_space<vmem>>, %arg3: memref<256x1xf32, #tpu.memory_space<vmem>>, %arg4: memref<1x256xf32, #tpu.memory_space<vmem>>, %arg5: memref<256x256xf32, #tpu.memory_space<vmem>>, %arg6: memref<2x256x128xf32, #tpu.memory_space<vmem>>) attributes {dimension_semantics = [#tpu.dimension_semantics<arbitrary>], iteration_bounds = array<i64: 41>, scalar_prefetch = 0 : i64, scratch_operands = 0 : i64, tpu.core_type = #tpu.core_type<tc>, window_params = [{transform_indices = @transform_0, window_bounds = array<i64: 2, 256, 128>}, {transform_indices = @transform_1, window_bounds = array<i64: 2, 256, 128>}, {transform_indices = @transform_2, window_bounds = array<i64: 256, 1>}, {pipeline_mode = #tpu.pipeline_mode<synchronous>, transform_indices = @transform_3, window_bounds = array<i64: 1, 256>}, {pipeline_mode = #tpu.pipeline_mode<synchronous>, transform_indices = @transform_4, window_bounds = array<i64: 256, 256>}, {transform_indices = @transform_5, window_bounds = array<i64: 2, 256, 128>}]} {
    %get3A = arith.constant 0 : index
    %get3A_0 = arith.constant 0 : index
    %get3A_1 = vector.load %arg3[%get3A, %get3A_0] : memref<256x1xf32, #tpu.memory_space<vmem>>, vector<256x1xf32>
    %rsqrt3A = math.rsqrt %get3A_1 : vector<256x1xf32>
    %get3A_2 = arith.constant 0 : index
    %get3A_3 = arith.constant 0 : index
    %get3A_4 = arith.constant 0 : index
    %get3A_5 = vector.load %arg1[%get3A_2, %get3A_3, %get3A_4] : memref<2x256x128xf32, #tpu.memory_space<vmem>>, vector<1x256x128xf32>
    %get3A_6 = vector.shape_cast %get3A_5 : vector<1x256x128xf32> to vector<256x128xf32>
    %get3A_7 = arith.constant 1 : index
    %get3A_8 = arith.constant 0 : index
    %get3A_9 = arith.constant 0 : index
    %get3A_10 = vector.load %arg1[%get3A_7, %get3A_8, %get3A_9] : memref<2x256x128xf32, #tpu.memory_space<vmem>>, vector<1x256x128xf32>
    %get3A_11 = vector.shape_cast %get3A_10 : vector<1x256x128xf32> to vector<256x128xf32>
    %concatenate3A = tpu.concatenate %get3A_6, %get3A_11 in 1 : vector<256x128xf32>, vector<256x128xf32> -> vector<256x256xf32>
    %get3A_12 = arith.constant 0 : index
    %get3A_13 = arith.constant 0 : index
    %get3A_14 = arith.constant 0 : index
    %get3A_15 = vector.load %arg2[%get3A_12, %get3A_13, %get3A_14] : memref<2x256x128xf32, #tpu.memory_space<vmem>>, vector<1x256x128xf32>
    %get3A_16 = vector.shape_cast %get3A_15 : vector<1x256x128xf32> to vector<256x128xf32>
    %get3A_17 = arith.constant 1 : index
    %get3A_18 = arith.constant 0 : index
    %get3A_19 = arith.constant 0 : index
    %get3A_20 = vector.load %arg2[%get3A_17, %get3A_18, %get3A_19] : memref<2x256x128xf32, #tpu.memory_space<vmem>>, vector<1x256x128xf32>
    %get3A_21 = vector.shape_cast %get3A_20 : vector<1x256x128xf32> to vector<256x128xf32>
    %concatenate3A_22 = tpu.concatenate %get3A_16, %get3A_21 in 1 : vector<256x128xf32>, vector<256x128xf32> -> vector<256x256xf32>
    %add3A = arith.addf %concatenate3A, %concatenate3A_22 : vector<256x256xf32>
    %mul3A = vector.broadcast %rsqrt3A : vector<256x1xf32> to vector<256x256xf32>
    %mul3A_23 = arith.mulf %mul3A, %add3A : vector<256x256xf32>
    %get3A_24 = arith.constant 0 : index
    %get3A_25 = arith.constant 0 : index
    %get3A_26 = vector.load %arg4[%get3A_24, %get3A_25] : memref<1x256xf32, #tpu.memory_space<vmem>>, vector<1x256xf32>
    %add3A_27 = vector.broadcast %get3A_26 : vector<1x256xf32> to vector<256x256xf32>
    %add3A_28 = arith.addf %mul3A_23, %add3A_27 : vector<256x256xf32>
    %ge3A = arith.constant 0.000000e+00 : f32
    %ge3A_29 = vector.broadcast %ge3A : f32 to vector<256x256xf32>
    %ge3A_30 = arith.cmpf oge, %add3A_28, %ge3A_29 : vector<256x256xf32>
    %mul3A_31 = arith.constant 0.00999999977 : f32
    %mul3A_32 = vector.broadcast %mul3A_31 : f32 to vector<256x256xf32>
    %mul3A_33 = arith.mulf %mul3A_32, %add3A_28 : vector<256x256xf32>
    %select_n3A = arith.select %ge3A_30, %add3A_28, %mul3A_33 : vector<256x256xi1>, vector<256x256xf32>
    %get3A_34 = arith.constant 0 : index
    %get3A_35 = arith.constant 0 : index
    %get3A_36 = vector.load %arg5[%get3A_34, %get3A_35] : memref<256x256xf32, #tpu.memory_space<vmem>>, vector<256x256xf32>
    %dot_general3A = arith.constant dense<0.000000e+00> : vector<256x256xf32>
    %dot_general3A_37 = tpu.matmul %select_n3A, %get3A_36, %dot_general3A {dimension_numbers = #tpu.dot_dimension_numbers<[1], [0], [0], [1], [0, 0, 1, 1], [], []>, transpose_lhs_hint = false} : vector<256x256xf32>, vector<256x256xf32>, vector<256x256xf32> -> vector<256x256xf32>
    %mul3A_38 = vector.broadcast %rsqrt3A : vector<256x1xf32> to vector<256x256xf32>
    %mul3A_39 = arith.mulf %dot_general3A_37, %mul3A_38 : vector<256x256xf32>
    %slice3A = vector.extract_strided_slice %mul3A_39 {offsets = [0, 0], sizes = [256, 128], strides = [1, 1]} : vector<256x256xf32> to vector<256x128xf32>
    %swap3A = arith.constant 0 : index
    %swap3A_40 = arith.constant 0 : index
    %swap3A_41 = arith.constant 0 : index
    %swap3A_42 = vector.load %arg6[%swap3A, %swap3A_40, %swap3A_41] : memref<2x256x128xf32, #tpu.memory_space<vmem>>, vector<1x256x128xf32>
    %swap3A_43 = vector.shape_cast %swap3A_42 : vector<1x256x128xf32> to vector<256x128xf32>
    %swap3A_44 = vector.shape_cast %slice3A : vector<256x128xf32> to vector<1x256x128xf32>
    tpu.vector_store %arg6[%swap3A, %swap3A_40, %swap3A_41], %swap3A_44 {strides = array<i32>} : memref<2x256x128xf32, #tpu.memory_space<vmem>>, vector<1x256x128xf32>,
    %slice3A_45 = vector.extract_strided_slice %mul3A_39 {offsets = [0, 128], sizes = [256, 128], strides = [1, 1]} : vector<256x256xf32> to vector<256x128xf32>
    %swap3A_46 = arith.constant 1 : index
    %swap3A_47 = arith.constant 0 : index
    %swap3A_48 = arith.constant 0 : index
    %swap3A_49 = vector.load %arg6[%swap3A_46, %swap3A_47, %swap3A_48] : memref<2x256x128xf32, #tpu.memory_space<vmem>>, vector<1x256x128xf32>
    %swap3A_50 = vector.shape_cast %swap3A_49 : vector<1x256x128xf32> to vector<256x128xf32>
    %swap3A_51 = vector.shape_cast %slice3A_45 : vector<256x128xf32> to vector<1x256x128xf32>
    tpu.vector_store %arg6[%swap3A_46, %swap3A_47, %swap3A_48], %swap3A_51 {strides = array<i32>} : memref<2x256x128xf32, #tpu.memory_space<vmem>>, vector<1x256x128xf32>,
    return
  }
  func.func @transform_0(%arg0: i32) -> (i32, i32, i32) {
    %c0_i32 = arith.constant 0 : i32
    %c0_i32_0 = arith.constant 0 : i32
    %c0_i32_1 = arith.constant 0 : i32
    return %c0_i32, %arg0, %c0_i32_0 : i32, i32, i32
  }
  func.func @transform_1(%arg0: i32) -> (i32, i32, i32) {
    %c0_i32 = arith.constant 0 : i32
    %c0_i32_0 = arith.constant 0 : i32
    %c0_i32_1 = arith.constant 0 : i32
    return %c0_i32, %arg0, %c0_i32_0 : i32, i32, i32
  }
  func.func @transform_2(%arg0: i32) -> (i32, i32) {
    %c0_i32 = arith.constant 0 : i32
    %c0_i32_0 = arith.constant 0 : i32
    return %arg0, %c0_i32 : i32, i32
  }
  func.func @transform_3(%arg0: i32) -> (i32, i32) {
    %c0_i32 = arith.constant 0 : i32
    %c0_i32_0 = arith.constant 0 : i32
    %c0_i32_1 = arith.constant 0 : i32
    return %c0_i32, %c0_i32_0 : i32, i32
  }
  func.func @transform_4(%arg0: i32) -> (i32, i32) {
    %c0_i32 = arith.constant 0 : i32
    %c0_i32_0 = arith.constant 0 : i32
    %c0_i32_1 = arith.constant 0 : i32
    return %c0_i32, %c0_i32_0 : i32, i32
  }
  func.func @transform_5(%arg0: i32) -> (i32, i32, i32) {
    %c0_i32 = arith.constant 0 : i32
    %c0_i32_0 = arith.constant 0 : i32
    %c0_i32_1 = arith.constant 0 : i32
    return %c0_i32, %arg0, %c0_i32_0 : i32, i32, i32
  }
}

module attributes {stable_mosaic.version = 14 : i64} {
  func.func @_mm0_kbody(%arg0: i32, %arg1: memref<256x256xf32, #tpu.memory_space<vmem>>, %arg2: memref<256x256xf32, #tpu.memory_space<vmem>>, %arg3: memref<256x1xf32, #tpu.memory_space<vmem>>, %arg4: memref<2x256x128xf32, #tpu.memory_space<vmem>>) attributes {dimension_semantics = [#tpu.dimension_semantics<arbitrary>], iteration_bounds = array<i64: 41>, scalar_prefetch = 0 : i64, scratch_operands = 0 : i64, tpu.core_type = #tpu.core_type<tc>, window_params = [{transform_indices = @transform_0, window_bounds = array<i64: 256, 256>}, {pipeline_mode = #tpu.pipeline_mode<synchronous>, transform_indices = @transform_1, window_bounds = array<i64: 256, 256>}, {transform_indices = @transform_2, window_bounds = array<i64: 256, 1>}, {transform_indices = @transform_3, window_bounds = array<i64: 2, 256, 128>}]} {
    %get3A = arith.constant 0 : index
    %get3A_0 = arith.constant 0 : index
    %get3A_1 = vector.load %arg3[%get3A, %get3A_0] : memref<256x1xf32, #tpu.memory_space<vmem>>, vector<256x1xf32>
    %rsqrt3A = math.rsqrt %get3A_1 : vector<256x1xf32>
    %get3A_2 = arith.constant 0 : index
    %get3A_3 = arith.constant 0 : index
    %get3A_4 = vector.load %arg1[%get3A_2, %get3A_3] : memref<256x256xf32, #tpu.memory_space<vmem>>, vector<256x256xf32>
    %get3A_5 = arith.constant 0 : index
    %get3A_6 = arith.constant 0 : index
    %get3A_7 = vector.load %arg2[%get3A_5, %get3A_6] : memref<256x256xf32, #tpu.memory_space<vmem>>, vector<256x256xf32>
    %dot_general3A = arith.constant dense<0.000000e+00> : vector<256x256xf32>
    %dot_general3A_8 = tpu.matmul %get3A_4, %get3A_7, %dot_general3A {dimension_numbers = #tpu.dot_dimension_numbers<[1], [0], [0], [1], [0, 0, 1, 1], [], []>, transpose_lhs_hint = false} : vector<256x256xf32>, vector<256x256xf32>, vector<256x256xf32> -> vector<256x256xf32>
    %mul3A = vector.broadcast %rsqrt3A : vector<256x1xf32> to vector<256x256xf32>
    %mul3A_9 = arith.mulf %dot_general3A_8, %mul3A : vector<256x256xf32>
    %slice3A = vector.extract_strided_slice %mul3A_9 {offsets = [0, 0], sizes = [256, 128], strides = [1, 1]} : vector<256x256xf32> to vector<256x128xf32>
    %swap3A = arith.constant 0 : index
    %swap3A_10 = arith.constant 0 : index
    %swap3A_11 = arith.constant 0 : index
    %swap3A_12 = vector.load %arg4[%swap3A, %swap3A_10, %swap3A_11] : memref<2x256x128xf32, #tpu.memory_space<vmem>>, vector<1x256x128xf32>
    %swap3A_13 = vector.shape_cast %swap3A_12 : vector<1x256x128xf32> to vector<256x128xf32>
    %swap3A_14 = vector.shape_cast %slice3A : vector<256x128xf32> to vector<1x256x128xf32>
    tpu.vector_store %arg4[%swap3A, %swap3A_10, %swap3A_11], %swap3A_14 {strides = array<i32>} : memref<2x256x128xf32, #tpu.memory_space<vmem>>, vector<1x256x128xf32>,
    %slice3A_15 = vector.extract_strided_slice %mul3A_9 {offsets = [0, 128], sizes = [256, 128], strides = [1, 1]} : vector<256x256xf32> to vector<256x128xf32>
    %swap3A_16 = arith.constant 1 : index
    %swap3A_17 = arith.constant 0 : index
    %swap3A_18 = arith.constant 0 : index
    %swap3A_19 = vector.load %arg4[%swap3A_16, %swap3A_17, %swap3A_18] : memref<2x256x128xf32, #tpu.memory_space<vmem>>, vector<1x256x128xf32>
    %swap3A_20 = vector.shape_cast %swap3A_19 : vector<1x256x128xf32> to vector<256x128xf32>
    %swap3A_21 = vector.shape_cast %slice3A_15 : vector<256x128xf32> to vector<1x256x128xf32>
    tpu.vector_store %arg4[%swap3A_16, %swap3A_17, %swap3A_18], %swap3A_21 {strides = array<i32>} : memref<2x256x128xf32, #tpu.memory_space<vmem>>, vector<1x256x128xf32>,
    return
  }
  func.func @transform_0(%arg0: i32) -> (i32, i32) {
    %c0_i32 = arith.constant 0 : i32
    %c0_i32_0 = arith.constant 0 : i32
    return %arg0, %c0_i32 : i32, i32
  }
  func.func @transform_1(%arg0: i32) -> (i32, i32) {
    %c0_i32 = arith.constant 0 : i32
    %c0_i32_0 = arith.constant 0 : i32
    %c0_i32_1 = arith.constant 0 : i32
    return %c0_i32, %c0_i32_0 : i32, i32
  }
  func.func @transform_2(%arg0: i32) -> (i32, i32) {
    %c0_i32 = arith.constant 0 : i32
    %c0_i32_0 = arith.constant 0 : i32
    return %arg0, %c0_i32 : i32, i32
  }
  func.func @transform_3(%arg0: i32) -> (i32, i32, i32) {
    %c0_i32 = arith.constant 0 : i32
    %c0_i32_0 = arith.constant 0 : i32
    %c0_i32_1 = arith.constant 0 : i32
    return %c0_i32, %arg0, %c0_i32_0 : i32, i32, i32
  }
}

module attributes {stable_mosaic.version = 14 : i64} {
  func.func @_head_kbody(%arg0: i32, %arg1: memref<2x256x128xf32, #tpu.memory_space<vmem>>, %arg2: memref<2x256x128xf32, #tpu.memory_space<vmem>>, %arg3: memref<256x1xf32, #tpu.memory_space<vmem>>, %arg4: memref<1x256xf32, #tpu.memory_space<vmem>>, %arg5: memref<256x128xf32, #tpu.memory_space<vmem>>, %arg6: memref<1x128xf32, #tpu.memory_space<vmem>>, %arg7: memref<128x128xf32, #tpu.memory_space<vmem>>, %arg8: memref<1x128xf32, #tpu.memory_space<vmem>>, %arg9: memref<256x128xf32, #tpu.memory_space<vmem>>) attributes {dimension_semantics = [#tpu.dimension_semantics<arbitrary>], iteration_bounds = array<i64: 41>, scalar_prefetch = 0 : i64, scratch_operands = 0 : i64, tpu.core_type = #tpu.core_type<tc>, window_params = [{transform_indices = @transform_0, window_bounds = array<i64: 2, 256, 128>}, {transform_indices = @transform_1, window_bounds = array<i64: 2, 256, 128>}, {transform_indices = @transform_2, window_bounds = array<i64: 256, 1>}, {pipeline_mode = #tpu.pipeline_mode<synchronous>, transform_indices = @transform_3, window_bounds = array<i64: 1, 256>}, {pipeline_mode = #tpu.pipeline_mode<synchronous>, transform_indices = @transform_4, window_bounds = array<i64: 256, 128>}, {pipeline_mode = #tpu.pipeline_mode<synchronous>, transform_indices = @transform_5, window_bounds = array<i64: 1, 128>}, {pipeline_mode = #tpu.pipeline_mode<synchronous>, transform_indices = @transform_6, window_bounds = array<i64: 128, 128>}, {pipeline_mode = #tpu.pipeline_mode<synchronous>, transform_indices = @transform_7, window_bounds = array<i64: 1, 128>}, {transform_indices = @transform_8, window_bounds = array<i64: 256, 128>}]} {
    %get3A = arith.constant 0 : index
    %get3A_0 = arith.constant 0 : index
    %get3A_1 = vector.load %arg3[%get3A, %get3A_0] : memref<256x1xf32, #tpu.memory_space<vmem>>, vector<256x1xf32>
    %rsqrt3A = math.rsqrt %get3A_1 : vector<256x1xf32>
    %get3A_2 = arith.constant 0 : index
    %get3A_3 = arith.constant 0 : index
    %get3A_4 = arith.constant 0 : index
    %get3A_5 = vector.load %arg1[%get3A_2, %get3A_3, %get3A_4] : memref<2x256x128xf32, #tpu.memory_space<vmem>>, vector<1x256x128xf32>
    %get3A_6 = vector.shape_cast %get3A_5 : vector<1x256x128xf32> to vector<256x128xf32>
    %get3A_7 = arith.constant 1 : index
    %get3A_8 = arith.constant 0 : index
    %get3A_9 = arith.constant 0 : index
    %get3A_10 = vector.load %arg1[%get3A_7, %get3A_8, %get3A_9] : memref<2x256x128xf32, #tpu.memory_space<vmem>>, vector<1x256x128xf32>
    %get3A_11 = vector.shape_cast %get3A_10 : vector<1x256x128xf32> to vector<256x128xf32>
    %concatenate3A = tpu.concatenate %get3A_6, %get3A_11 in 1 : vector<256x128xf32>, vector<256x128xf32> -> vector<256x256xf32>
    %get3A_12 = arith.constant 0 : index
    %get3A_13 = arith.constant 0 : index
    %get3A_14 = arith.constant 0 : index
    %get3A_15 = vector.load %arg2[%get3A_12, %get3A_13, %get3A_14] : memref<2x256x128xf32, #tpu.memory_space<vmem>>, vector<1x256x128xf32>
    %get3A_16 = vector.shape_cast %get3A_15 : vector<1x256x128xf32> to vector<256x128xf32>
    %get3A_17 = arith.constant 1 : index
    %get3A_18 = arith.constant 0 : index
    %get3A_19 = arith.constant 0 : index
    %get3A_20 = vector.load %arg2[%get3A_17, %get3A_18, %get3A_19] : memref<2x256x128xf32, #tpu.memory_space<vmem>>, vector<1x256x128xf32>
    %get3A_21 = vector.shape_cast %get3A_20 : vector<1x256x128xf32> to vector<256x128xf32>
    %concatenate3A_22 = tpu.concatenate %get3A_16, %get3A_21 in 1 : vector<256x128xf32>, vector<256x128xf32> -> vector<256x256xf32>
    %add3A = arith.addf %concatenate3A, %concatenate3A_22 : vector<256x256xf32>
    %mul3A = vector.broadcast %rsqrt3A : vector<256x1xf32> to vector<256x256xf32>
    %mul3A_23 = arith.mulf %mul3A, %add3A : vector<256x256xf32>
    %get3A_24 = arith.constant 0 : index
    %get3A_25 = arith.constant 0 : index
    %get3A_26 = vector.load %arg4[%get3A_24, %get3A_25] : memref<1x256xf32, #tpu.memory_space<vmem>>, vector<1x256xf32>
    %add3A_27 = vector.broadcast %get3A_26 : vector<1x256xf32> to vector<256x256xf32>
    %add3A_28 = arith.addf %mul3A_23, %add3A_27 : vector<256x256xf32>
    %ge3A = arith.constant 0.000000e+00 : f32
    %ge3A_29 = vector.broadcast %ge3A : f32 to vector<256x256xf32>
    %ge3A_30 = arith.cmpf oge, %add3A_28, %ge3A_29 : vector<256x256xf32>
    %mul3A_31 = arith.constant 0.00999999977 : f32
    %mul3A_32 = vector.broadcast %mul3A_31 : f32 to vector<256x256xf32>
    %mul3A_33 = arith.mulf %mul3A_32, %add3A_28 : vector<256x256xf32>
    %select_n3A = arith.select %ge3A_30, %add3A_28, %mul3A_33 : vector<256x256xi1>, vector<256x256xf32>
    %get3A_34 = arith.constant 0 : index
    %get3A_35 = arith.constant 0 : index
    %get3A_36 = vector.load %arg5[%get3A_34, %get3A_35] : memref<256x128xf32, #tpu.memory_space<vmem>>, vector<256x128xf32>
    %dot_general3A = arith.constant dense<0.000000e+00> : vector<256x128xf32>
    %dot_general3A_37 = tpu.matmul %select_n3A, %get3A_36, %dot_general3A {dimension_numbers = #tpu.dot_dimension_numbers<[1], [0], [0], [1], [0, 0, 1, 1], [], []>, transpose_lhs_hint = false} : vector<256x256xf32>, vector<256x128xf32>, vector<256x128xf32> -> vector<256x128xf32>
    %get3A_38 = arith.constant 0 : index
    %get3A_39 = arith.constant 0 : index
    %get3A_40 = vector.load %arg6[%get3A_38, %get3A_39] : memref<1x128xf32, #tpu.memory_space<vmem>>, vector<1x128xf32>
    %add3A_41 = vector.broadcast %get3A_40 : vector<1x128xf32> to vector<256x128xf32>
    %add3A_42 = arith.addf %dot_general3A_37, %add3A_41 : vector<256x128xf32>
    %ge3A_43 = arith.constant 0.000000e+00 : f32
    %ge3A_44 = vector.broadcast %ge3A_43 : f32 to vector<256x128xf32>
    %ge3A_45 = arith.cmpf oge, %add3A_42, %ge3A_44 : vector<256x128xf32>
    %mul3A_46 = arith.constant 0.00999999977 : f32
    %mul3A_47 = vector.broadcast %mul3A_46 : f32 to vector<256x128xf32>
    %mul3A_48 = arith.mulf %mul3A_47, %add3A_42 : vector<256x128xf32>
    %select_n3A_49 = arith.select %ge3A_45, %add3A_42, %mul3A_48 : vector<256x128xi1>, vector<256x128xf32>
    %get3A_50 = arith.constant 0 : index
    %get3A_51 = arith.constant 0 : index
    %get3A_52 = vector.load %arg7[%get3A_50, %get3A_51] : memref<128x128xf32, #tpu.memory_space<vmem>>, vector<128x128xf32>
    %dot_general3A_53 = arith.constant dense<0.000000e+00> : vector<256x128xf32>
    %dot_general3A_54 = tpu.matmul %select_n3A_49, %get3A_52, %dot_general3A_53 {dimension_numbers = #tpu.dot_dimension_numbers<[1], [0], [0], [1], [0, 0, 1, 1], [], []>, transpose_lhs_hint = false} : vector<256x128xf32>, vector<128x128xf32>, vector<256x128xf32> -> vector<256x128xf32>
    %get3A_55 = arith.constant 0 : index
    %get3A_56 = arith.constant 0 : index
    %get3A_57 = vector.load %arg8[%get3A_55, %get3A_56] : memref<1x128xf32, #tpu.memory_space<vmem>>, vector<1x128xf32>
    %add3A_58 = vector.broadcast %get3A_57 : vector<1x128xf32> to vector<256x128xf32>
    %add3A_59 = arith.addf %dot_general3A_54, %add3A_58 : vector<256x128xf32>
    %mul3A_60 = arith.constant 256 : i32
    %mul3A_61 = arith.muli %arg0, %mul3A_60 : i32
    %iota3A = tpu.iota {dimensions = array<i32: 0>} : vector<256x128xi32>
    %add3A_62 = vector.broadcast %mul3A_61 : i32 to vector<256x128xi32>
    %add3A_63 = arith.addi %add3A_62, %iota3A : vector<256x128xi32>
    %iota3A_64 = tpu.iota {dimensions = array<i32: 1>} : vector<256x128xi32>
    %eq3A = arith.constant 0 : i32
    %eq3A_65 = vector.broadcast %eq3A : i32 to vector<256x128xi32>
    %eq3A_66 = arith.cmpi eq, %iota3A_64, %eq3A_65 : vector<256x128xi32>
    %eq3A_67 = arith.constant 2 : i32
    %eq3A_68 = vector.broadcast %eq3A_67 : i32 to vector<256x128xi32>
    %eq3A_69 = arith.cmpi eq, %iota3A_64, %eq3A_68 : vector<256x128xi32>
    %or3A = arith.ori %eq3A_66, %eq3A_69 : vector<256x128xi1>
    %ge3A_70 = arith.constant 10000 : i32
    %ge3A_71 = vector.broadcast %ge3A_70 : i32 to vector<256x128xi32>
    %ge3A_72 = arith.cmpi sge, %add3A_63, %ge3A_71 : vector<256x128xi32>
    %and3A = arith.andi %or3A, %ge3A_72 : vector<256x128xi1>
    %jit3A = arith.constant -1.000000e+02 : f32
    %broadcast_in_dim3A = vector.broadcast %jit3A : f32 to vector<256x128xf32>
    %select_n3A_73 = arith.select %and3A, %broadcast_in_dim3A, %add3A_59 : vector<256x128xi1>, vector<256x128xf32>
    %swap3A = arith.constant 0 : index
    %swap3A_74 = arith.constant 0 : index
    %swap3A_75 = vector.load %arg9[%swap3A, %swap3A_74] : memref<256x128xf32, #tpu.memory_space<vmem>>, vector<256x128xf32>
    tpu.vector_store %arg9[%swap3A, %swap3A_74], %select_n3A_73 {strides = array<i32>} : memref<256x128xf32, #tpu.memory_space<vmem>>, vector<256x128xf32>,
    return
  }
  func.func @transform_0(%arg0: i32) -> (i32, i32, i32) {
    %c0_i32 = arith.constant 0 : i32
    %c0_i32_0 = arith.constant 0 : i32
    %c0_i32_1 = arith.constant 0 : i32
    return %c0_i32, %arg0, %c0_i32_0 : i32, i32, i32
  }
  func.func @transform_1(%arg0: i32) -> (i32, i32, i32) {
    %c0_i32 = arith.constant 0 : i32
    %c0_i32_0 = arith.constant 0 : i32
    %c0_i32_1 = arith.constant 0 : i32
    return %c0_i32, %arg0, %c0_i32_0 : i32, i32, i32
  }
  func.func @transform_2(%arg0: i32) -> (i32, i32) {
    %c0_i32 = arith.constant 0 : i32
    %c0_i32_0 = arith.constant 0 : i32
    return %arg0, %c0_i32 : i32, i32
  }
  func.func @transform_3(%arg0: i32) -> (i32, i32) {
    %c0_i32 = arith.constant 0 : i32
    %c0_i32_0 = arith.constant 0 : i32
    %c0_i32_1 = arith.constant 0 : i32
    return %c0_i32, %c0_i32_0 : i32, i32
  }
  func.func @transform_4(%arg0: i32) -> (i32, i32) {
    %c0_i32 = arith.constant 0 : i32
    %c0_i32_0 = arith.constant 0 : i32
    %c0_i32_1 = arith.constant 0 : i32
    return %c0_i32, %c0_i32_0 : i32, i32
  }
  func.func @transform_5(%arg0: i32) -> (i32, i32) {
    %c0_i32 = arith.constant 0 : i32
    %c0_i32_0 = arith.constant 0 : i32
    %c0_i32_1 = arith.constant 0 : i32
    return %c0_i32, %c0_i32_0 : i32, i32
  }
  func.func @transform_6(%arg0: i32) -> (i32, i32) {
    %c0_i32 = arith.constant 0 : i32
    %c0_i32_0 = arith.constant 0 : i32
    %c0_i32_1 = arith.constant 0 : i32
    return %c0_i32, %c0_i32_0 : i32, i32
  }
  func.func @transform_7(%arg0: i32) -> (i32, i32) {
    %c0_i32 = arith.constant 0 : i32
    %c0_i32_0 = arith.constant 0 : i32
    %c0_i32_1 = arith.constant 0 : i32
    return %c0_i32, %c0_i32_0 : i32, i32
  }
  func.func @transform_8(%arg0: i32) -> (i32, i32) {
    %c0_i32 = arith.constant 0 : i32
    %c0_i32_0 = arith.constant 0 : i32
    return %arg0, %c0_i32 : i32, i32
  }
}

</mosaic_0001>

<sc_bundles>
// kernel: kernel.10.cloned.1.call-start
scs
__scs_entry_jumppad:
0x0: {  	(pc) =	sbr.rel $0x88, $3  }
0x1: {  	(tag) =	ssettag $0x0;
	lr =	simm.s32 $0x1  }
0x2: {  	[smem:$0x3F94] =	sst lr;
	_ =	strace $0xD0000000  }
0x3: {  	_ = 	snop  }
0x4: {  	_ = 	snop  }
0x5: {  	_ = 	snop  }
0x6: {  	_ = 	snop  }
0x7: {  	_ = 	snop  }
__scs_overlays_trampoline_lowered:
0x8: {  	[smem:$0x3FA3] =	sst s0  }
0x9: {  	[smem:$0x3FA4] =	sst s1  }
0xa: {  	[smem:$0x3FA5] =	sst s2  }
0xb: {  	[smem:$0x3FA6] =	sst s3  }
0xc: {  	[smem:$0x3FA7] =	sst s4  }
0xd: {  	[smem:$0x3FA8] =	sst s5  }
0xe: {  	[smem:$0x3FA9] =	sst s6  }
0xf: {  	[smem:$0x3FAA] =	sst s7  }
0x10: {  	[smem:$0x3FAB] =	sst s8  }
0x11: {  	[smem:$0x3FAC] =	sst s9;
	s0 =	simm.s32 @!p0 $0x0  }
0x12: {  	s1 =	sld [smem:$0x3F92];
	s0 =	simm.s32 @p0 $0x1  }
0x13: {  	[smem:$0x3FAD] =	sst s0;
	s0 =	simm.s32 @!p1 $0x0  }
0x14: {  	s2 =	sld [smem:$0x3F91];
	s0 =	simm.s32 @p1 $0x1  }
0x15: {  	[smem:$0x3FAE] =	sst s0;
	s0 =	simm.s32 @!p2 $0x0  }
0x16: {  	s3 =	sld [smem:$0x3FDB];
	s0 =	simm.s32 @p2 $0x1  }
0x17: {  	s4 =	simm.s32 $0x1BF5;
	[smem:$0x3FB0] =	sst s0  }
0x18: {  	s0 =	sld [smem:$0x3F93];
	_ =	swait.ge [sflag:s4], $0x0  }
0x19: {  	s7 =	sld [smem:$0x3F94]  }
0x1a: {  	s8 =	sadd.s32 $0xFFFFE003, lr  }
0x1b: {  	s9 =	sadd.s32 $0xFFFFFEF7, lr;
	s5 =	simm.s32 $0xFFFFFFFF;
	p2 =	slt.u32 s8, $0xFFFFF086  }
0x1c: {  	p1 =	slt.u32 s9, $0xF7A;
	s5 =	simm.s32 @!p2 $0x0  }
0x1d: {  	s5 =	simm.s32 @p1 $0x1;
	p0 =	seq.s32 s7, s2  }
0x1e: {  	s7 =	smul.u32 @!p0 $0xF7A, s2;
	p2 =	seq.s32 @!p0 s5, $0x0  }
0x1f: {  	s9 =	smul.u32 $0xF7A, s1;
	s8 =	simm.s32 @!p0 $0x1BF5;
	p2 =	por !p2, p0  }
0x20: {  	[sflag:s8] =	ssyncset.s32 @!p0 $0xFFFFF086;
	s6 =	sadd.s32 @!p0 s3, s7;
	s7 =	simm.s32 @!p0 $0x108  }
0x21: {  	s3 =	sadd.s32 s3, s9;
	s6 =	sadd.s32 @!p0 $0x88, s6;
	s7 =	simm.s32 @p2 $0x1082  }
0x22: {  	[simem:s7], [sflag:s8] =	dma.local @!p0 [hbm:s6], $0xF7A  }
0x23: {  	s9 =	sor.u32 $0xD0000000, s2;
	s6 =	simm.s32 $0x108;
	_ =	swait.ge @!p0 [sflag:s8], $0x0  }
0x24: {  	s3 =	sadd.s32 $0x88, s3;
	s6 =	simm.s32 @!p1 $0x1082;
	[sflag:s4] =	ssyncset.s32 $0xFFFFF086  }
0x25: {  	[simem:s6], [sflag:s4] =	dma.local [hbm:s3], $0xF7A  }
0x26: {  	[smem:$0x3F94] =	sst s1;
	(tag) =	ssettag s2;
	_ =	strace s9  }
0x27: {  	s1 =	sld [smem:$0x3FA4]  }
0x28: {  	s2 =	sld [smem:$0x3FA5]  }
0x29: {  	s4 =	sld [smem:$0x3FA7]  }
0x2a: {  	p0 =	seq.s32 s5, $0x0;
	s5 =	sld [smem:$0x3FA8]  }
0x2b: {  	s6 =	sld [smem:$0x3FA9]  }
0x2c: {  	s7 =	sld [smem:$0x3FAA]  }
0x2d: {  	s3 =	simm.s32 $0x108;
	s8 =	sld [smem:$0x3FAB]  }
0x2e: {  	s3 =	simm.s32 @!p0 $0x1082;
	s9 =	sld [smem:$0x3FAC]  }
0x2f: {  	lr =	sadd.s32 s0, s3;
	s0 =	sld [smem:$0x3FA3]  }
0x30: {  	s3 =	sld [smem:$0x3FA6]  }
0x31: {  	[smem:$0x3FAF] =	sst s10  }
0x32: {  	s10 =	sld [smem:$0x3FAD];
	_ =	sdelay $0x3  }
0x33: {  	p0 =	seq.s32 s10, $0x1;
	s10 =	sld [smem:$0x3FAF];
	_ =	sdelay $0x3  }
0x34: {  	[smem:$0x3FAF] =	sst s10  }
0x35: {  	s10 =	sld [smem:$0x3FAE];
	_ =	sdelay $0x3  }
0x36: {  	p1 =	seq.s32 s10, $0x1;
	s10 =	sld [smem:$0x3FAF];
	_ =	sdelay $0x3  }
0x37: {  	[smem:$0x3FAF] =	sst s10  }
0x38: {  	s10 =	sld [smem:$0x3FB0]  }
0x39: {  	_ = 	snop;
	(pc) =	sbr.ind lr, $3  }
0x3a: {  	_ = 	snop  }
0x3b: {  	_ = 	snop  }
0x3c: {  	p2 =	seq.s32 s10, $0x1;
	s10 =	sld [smem:$0x3FAF]  }
0x3d: {  	_ =	shalt  }
0x3e: {  	_ =	shalt  }
0x3f: {  	_ =	shalt  }
0x40: {  	_ =	shalt  }
0x41: {  	_ =	shalt  }
0x42: {  	_ =	shalt  }
0x43: {  	_ =	shalt  }
0x44: {  	_ =	shalt  }
0x45: {  	_ =	shalt  }
0x46: {  	_ =	shalt  }
0x47: {  	_ =	shalt  }
0x48: {  	_ =	shalt  }
0x49: {  	_ =	shalt  }
0x4a: {  	_ =	shalt  }
0x4b: {  	_ =	shalt  }
0x4c: {  	_ =	shalt  }
0x4d: {  	_ =	shalt  }
0x4e: {  	_ =	shalt  }
0x4f: {  	_ =	shalt  }
0x50: {  	_ =	shalt  }
0x51: {  	_ =	shalt  }
0x52: {  	_ =	shalt  }
0x53: {  	_ =	shalt  }
0x54: {  	_ =	shalt  }
0x55: {  	_ =	shalt  }
0x56: {  	_ =	shalt  }
0x57: {  	_ =	shalt  }
0x58: {  	_ =	shalt  }
0x59: {  	_ =	shalt  }
0x5a: {  	_ =	shalt  }
0x5b: {  	_ =	shalt  }
0x5c: {  	_ =	shalt  }
0x5d: {  	_ =	shalt  }
0x5e: {  	_ =	shalt  }
0x5f: {  	_ =	shalt  }
0x60: {  	_ =	shalt  }
0x61: {  	_ =	shalt  }
0x62: {  	_ =	shalt  }
0x63: {  	_ =	shalt  }
0x64: {  	_ =	shalt  }
0x65: {  	_ =	shalt  }
0x66: {  	_ =	shalt  }
0x67: {  	_ =	shalt  }
0x68: {  	_ =	shalt  }
0x69: {  	_ =	shalt  }
0x6a: {  	_ =	shalt  }
0x6b: {  	_ =	shalt  }
0x6c: {  	_ =	shalt  }
0x6d: {  	_ =	shalt  }
0x6e: {  	_ =	shalt  }
0x6f: {  	_ =	shalt  }
0x70: {  	_ =	shalt  }
0x71: {  	_ =	shalt  }
0x72: {  	_ =	shalt  }
0x73: {  	_ =	shalt  }
0x74: {  	_ =	shalt  }
0x75: {  	_ =	shalt  }
0x76: {  	_ =	shalt  }
0x77: {  	_ =	shalt  }
0x78: {  	_ =	shalt  }
0x79: {  	_ =	shalt  }
0x7a: {  	_ =	shalt  }
0x7b: {  	_ =	shalt  }
0x7c: {  	_ =	shalt  }
0x7d: {  	_ =	shalt  }
0x7e: {  	_ =	shalt  }
0x7f: {  	_ =	shalt  }
0x80: {  	_ =	shalt  }
0x81: {  	_ =	shalt  }
0x82: {  	_ =	shalt  }
0x83: {  	_ =	shalt  }
0x84: {  	_ =	shalt  }
0x85: {  	_ =	shalt  }
0x86: {  	_ =	shalt  }
0x87: {  	_ =	shalt  }
.Lfunc_end0:
.L_simem_size_0:
called_computation_lowered:
.L_overlay_start_0:
0x88: {  	s2 =	sld [smem:$0x3FD9]  }
0x89: {  	s3 =	sld [smem:$0x3FFE];
	_ =	sdelay $0x1  }
0x8a: {  	s1 =	srdreg.scid  }
0x8b: {  	s0 =	sand.u32 $0x1, s1  }
0x8c: {  	s16 =	sshll.u32 s0, $0xA;
	s2 =	sadd.s32 s3, s2  }
0x8d: {  	s2 =	sadd.s32 s2, s16  }
0x8e: {  	[smem:$0x3FBB] =	sst s2  }
0x8f: {  	_ = 	snop  }
0x90: {  	(tm) =	ssettm $0x1  }
0x91: {  	s17 =	sld [smem:$0x3FFB];
	_ =	sdelay $0x3  }
0x92: {  	_ =	strace s17  }
0x93: {  	s2 =	sld [smem:$0x3FFC];
	_ =	sdelay $0x3  }
0x94: {  	_ =	strace s2  }
0x95: {  	s2 =	sld [smem:$0x3FFD];
	_ =	sdelay $0x3  }
0x96: {  	_ =	strace s2  }
0x97: {  	_ =	strace $0x8FFFFFFF  }
0x98: {  	s18 =	sld [smem:$0x3FDB];
	_ =	sdelay $0x1  }
0x99: {  	s19 =	simm.s32 $_scs_section_size  }
0x9a: {  	s4 =	simm.s32 $_size__tile_overlayer_lowered;
	s5 =	simm.s32 $_tile_overlayer_lowered  }
0x9b: {  	s22 =	simm.s32 $0x1BFF;
	s21 =	sshll.u32 s5, $0x1;
	s2 =	sadd.s32 s19, s18  }
0x9c: {  	s6 =	simm.s32 $0x0;
	s20 =	sshll.u32 s4, $0x1;
	s4 =	sadd.s32 s21, s2  }
0x9d: {  	[timem:s6], [sflag:s22] =	dma.local [hbm:s4], s20  }
0x9e: {  	_ =	swait.ge [sflag:s22], s20  }
0x9f: {  	s3 =	ssub.s32 $0x0, s20;
	[sflag:s22] =	ssyncset.done $0x0  }
0xa0: {  	[sflag:s22] =	ssyncadd.s32 s3;
	_ =	sdelay $0x1  }
0xa1: {  	s23 =	simm.s32 $0x1B8B  }
0xa2: {  	_ =	swait.ge [sflag:s23], $0x1  }
0xa3: {  	[sflag:s23] =	ssyncset.done $0x0  }
0xa4: {  	s25 =	simm.s32 $0x1B8E;
	s24 =	sld [smem:$0x3FFE];
	[sflag:s23] =	ssyncadd.s32 $0xFFFFFFFF  }
0xa5: {  	s26 =	simm.s32 $execute0_lowered;
	[smem:$0x3FD2] =	sst s25  }
0xa6: {  	s4 =	sshll.u32 s26, $0x1;
	_ =	strace $0x80000046;
	[dreg:$0x1] =	wrdreg $0xFFFFFFFF  }
0xa7: {  	s28 =	simm.s32 $_size_execute0_lowered;
	s2 =	sadd.s32 s2, s4;
	[dreg:$0x0] =	wrdreg $0x0  }
0xa8: {  	s4 =	sshll.u32 s28, $0x1;
	[dreg:$0x2] =	wrdreg s2  }
0xa9: {  	[dreg:$0x3] =	wrdreg s4  }
0xaa: {  	[dreg:$0x4] =	wrdreg $0xC0  }
0xab: {  	_ =	task [dreg:s6], $0x5FFFF  }
0xac: {  	[dreg:$0x1] =	wrdreg $0xFFFFFFFF  }
0xad: {  	[dreg:$0x0] =	wrdreg $0x60  }
0xae: {  	[dreg:$0x2] =	wrdreg s24  }
0xaf: {  	[dreg:$0x3] =	wrdreg $0x40800  }
0xb0: {  	[dreg:$0x4] =	wrdreg $0x9  }
0xb1: {  	_ =	task.clear_ibuf [dreg:s6], $0x5FFFF;
	_ =	strace $0x90000046  }
0xb2: {  	s29 =	simm.s32 $0x9;
	_ =	strace $0x80000048  }
0xb3: {  	_ =	swait.ge [sflag:s29], $0x1  }
0xb4: {  	[sflag:s29] =	ssyncadd.s32 $0xFFFFFFFF  }
0xb5: {  	_ =	strace $0x90000048  }
0xb6: {  	_ =	sfence  }
0xb7: {  	s30 =	sld [smem:$0x0];
	_ =	sdelay $0x2  }
0xb8: {  	s31 =	sshll.u32 s1, $0xD;
	s1 =	sshrl.u32 s1, $0x2  }
0xb9: {  	s3 =	sand.u32 $0x4000, s31;
	s1 =	sadd.s32 s1, s30  }
0xba: {  	s0 =	sor.u32 s3, s0;
	s1 =	sshll.u32 s1, $0x11  }
0xbb: {  	s0 =	sor.u32 s1, s0  }
0xbc: {  	s0 =	sadd.s32 $0x8F2B, s0  }
0xbd: {  	[sflag:s0] =	ssyncadd.remote.s32 $0x1  }
0xbe: {  	_ =	sfence.sel $0xFFFF  }
0xbf: {  	[dreg:$0x0] =	wrdreg $0xFFFFFFFF;
	(pc) =	sbr.abs _section_cstart, $3  }
0xc0: {  	[dreg:$0x1] =	wrdreg $0xFFFFFFFF  }
0xc1: {  	_ =	task.clear_ibuf [dreg:s6], $0x2FFFF;
	_ =	strace $0x9FFFFFFF  }
0xc2: {  	(tm) =	ssettm $0x7FFFFFFF  }
0xc3: {  	_ =	shalt  }
tec
execute0_lowered:
.L_overlay_start_1:
0x0: {  	(tag) =	ssettag $0x1  }
0x1: {  	s5 =	rddreg [dreg:$0x0]  }
0x2: {  	s2 =	rddreg [dreg:$0x1];
	s1 =	stileid.u32  }
0x3: {  	s0 =	rddreg [dreg:$0x2];
	s4 =	smul.u32 $0x500, s1  }
0x4: {  	s3 =	simm.s32 $0x0;
	s6 =	srdreg.scid;
	s12 =	smul.u32 $0x2900, s1  }
0x5: {  	[smem:$0x7FF] =	sst s3;
	s6 =	sand.u32 $0x1, s6;
	s11 =	smul.u32 $0x52000, s1  }
0x6: {  	s29 =	sshll.u32 s1, $0x6;
	_ =	strace $0x80000047;
	s7 =	smul.u32 $0x29000, s6  }
0x7: {  	s9 =	ssub.s32 $0x2, s6;
	s30 =	smul.u32 $0x280, s6;
	s6 =	sor.u32 $0x1C01, s29  }
0x8: {  	s8 =	sadd.s32 s4, s5;
	s4 =	sadd.s32 $0x2F600, s5;
	s10 =	sshrl.u32 s9, $0x1  }
0x9: {  	s13 =	sadd.s32 s12, s5;
	s28 =	sshrl.u32 s11, $0x2;
	s11 =	simm.s32 $0x80  }
0xa: {  	s7 =	sadd.s32 s7, s5;
	s9 =	ssub.s32 s9, s10;
	s14 =	sadd.s32 s28, s2  }
0xb: {  	s5 =	sadd.s32 $0x6600, s13;
	s8 =	sadd.s32 s30, s8;
	s10 =	simm.s32 $0x1  }
0xc: {  	s13 =	simm.s32 $0x0;
	s31 =	sadd.s32 $0x2FE00, s7;
	s7 =	smax.u32 s9, $0x1  }
0xd: {  	s8 =	sadd.s32 $0x1600, s8;
	s9 =	sshrl.u32 s14, $0x3;
	s12 =	sadd.s32 s12, s31  }
.LBB2_1:
0xe: {  	[spmem:s9], [sflag:s6] =	dma.local [hbm:s5], $0x2900  }
0xf: {  	_ =	swait.ge [sflag:s10], $0x2900  }
0x10: {  	[sflag:s10] =	ssyncset.done $0x0  }
0x11: {  	[sflag:s10] =	ssyncadd.s32 $0xFFFFD700  }
0x12: {  	[tilespmem:s11], [sflag:$0x1] =	stream.linear.gather [hbm4b:s4+s3], $0x4000, $0x38;
	[tilespmem:$0x18880] =	vst v63  }
0x13: {  	_ =	swait.ge [sflag:s10], $0x4000  }
0x14: {  	[sflag:s10] =	ssyncset.done $0x0  }
0x15: {  	[sflag:s10] =	ssyncadd.s32 $0xFFFFC000  }
0x16: {  	s14 =	sadd.s32 $0x0, s8;
	[bflag:$0x0] =	sbarrier.arrive $0xFFFF  }
0x17: {  	[tilespmem:s3], [sflag:$0x1] =	stream.linear.gather [hbm4b:s14+s3], $0x80, $0x38;
	[tilespmem:$0x18880] =	vst v63  }
0x18: {  	_ =	swait.ge [sflag:s10], $0x80  }
0x19: {  	[sflag:s10] =	ssyncset.done $0x0  }
0x1a: {  	[sflag:s10] =	ssyncadd.s32 $0xFFFFFF80  }
0x1b: {  	[spmem:s2] =	stream.indirect.scatter.add.f32 [tilespmem:s11], [sflag:$0x1], $0x80, s3, s11, $0xb8;
	[tilespmem:$0x18880] =	vst v63  }
0x1c: {  	_ =	swait.ge [sflag:s10], $0x4000  }
0x1d: {  	s15 =	simm.s32 $0x20;
	s14 =	simm.s32 $0x10;
	[sflag:s10] =	ssyncset.done $0x0  }
.LBB2_2:
0x1e: {  	s16 =	sadd.s32 s14, s8  }
0x1f: {  	[sflag:s10] =	ssyncadd.s32 $0xFFFFC000;
	s14 =	smov.u32 s15;
	s17 =	sadd.s32 $0x10, s15  }
0x20: {  	[tilespmem:s3], [sflag:$0x1] =	stream.linear.gather [hbm4b:s16+s3], $0x80, $0x38;
	[tilespmem:$0x18880] =	vst v63  }
0x21: {  	p0 =	sne.s32 s15, $0x270;
	_ =	swait.ge [sflag:s10], $0x80  }
.Ltmp0:
0x22: {  	[sflag:s10] =	ssyncset.done $0x0;
	(pc) =	sbr.rel @p0 .LBB2_2-.Ltmp0, $4  }
0x23: {  	[sflag:s10] =	ssyncadd.s32 $0xFFFFFF80  }
0x24: {  	[spmem:s2] =	stream.indirect.scatter.add.f32 [tilespmem:s11], [sflag:$0x1], $0x80, s3, s11, $0xb8;
	[tilespmem:$0x18880] =	vst v63  }
0x25: {  	_ =	swait.ge [sflag:s10], $0x4000  }
0x26: {  	s15 =	smov.u32 s17;
	[sflag:s10] =	ssyncset.done $0x0  }
0x27: {  	s14 =	sadd.s32 s14, s8;
	[sflag:s10] =	ssyncadd.s32 $0xFFFFC000  }
0x28: {  	[tilespmem:s3], [sflag:$0x1] =	stream.linear.gather [hbm4b:s14+s3], $0x80, $0x38;
	[tilespmem:$0x18880] =	vst v63  }
0x29: {  	_ =	swait.ge [sflag:s10], $0x80  }
0x2a: {  	[sflag:s10] =	ssyncset.done $0x0  }
0x2b: {  	[sflag:s10] =	ssyncadd.s32 $0xFFFFFF80  }
0x2c: {  	[spmem:s2] =	stream.indirect.scatter.add.f32 [tilespmem:s11], [sflag:$0x1], $0x80, s3, s11, $0xb8;
	[tilespmem:$0x18880] =	vst v63  }
0x2d: {  	_ =	swait.ge [sflag:s10], $0x4000  }
0x2e: {  	s13 =	sadd.s32 $0x1, s13;
	[sflag:s10] =	ssyncset.done $0x0  }
0x2f: {  	p0 =	sne.s32 s13, s7;
	[sflag:s10] =	ssyncadd.s32 $0xFFFFC000  }
.Ltmp1:
0x30: {  	[bflag:$0x0] =	sbarrier.arrive $0xFFFF;
	(pc) =	sbr.rel @p0 .LBB2_1-.Ltmp1, $4  }
0x31: {  	[hbm:s12], [sflag:s6] =	dma.local [spmem:s9], $0x2900  }
0x32: {  	_ =	swait.ge [sflag:s10], $0x2900  }
0x33: {  	[sflag:s10] =	ssyncset.done $0x0  }
0x34: {  	[sflag:s10] =	ssyncadd.s32 $0xFFFFD700  }
0x35: {  	_ =	sfence.sel $0x180000  }
0x36: {  	[bflag:$0x0] =	sbarrier.arrive $0xFFFF  }
0x37: {  	p0 =	sne.s32 s1, $0x0;
	_ =	strace $0x90000047  }
0x38: {  	s0 =	sadd.s32 @!p0 $0x100000, s0;
	[bflag:$0x2] =	sbarrier.arrive $0xFFFF  }
0x39: {  	[sflag:s0] =	ssyncadd.tile.s32 @!p0 $0x1;
	_ =	shalt  }
.Lfunc_end2:
_tile_overlayer_lowered:
.L_overlay_start_2:
0x3a: {  	(tag) =	ssettag $0x2  }
0x3b: {  	s0 =	rddreg [dreg:$0x0];
	s2 =	stileid.u32  }
0x3c: {  	s1 =	rddreg [dreg:$0x1];
	p0 =	sne.s32 s2, $0x0  }
0x3d: {  	s3 =	rddreg [dreg:$0x2];
	[bflag:$0x3] =	sbarrier.arrive $0xFFFF;
	s2 =	simm.s32 @!p0 $0x1C01  }
0x3e: {  	[timem:s3], [sflag:s2] =	dma.local @!p0 [hbm:s0], s1  }
0x3f: {  	s0 =	simm.s32 @!p0 $0x1  }
0x40: {  	_ =	swait.ge @!p0 [sflag:s0], s1  }
0x41: {  	s1 =	ssub.s32 @!p0 $0x0, s1;
	[sflag:s0] =	ssyncset.done @!p0 $0x0  }
0x42: {  	[sflag:s0] =	ssyncadd.s32 @!p0 s1  }
0x43: {  	[bflag:$0x3] =	sbarrier.arrive $0xFFFF  }
0x44: {  	_ =	shalt  }

// kernel: kernel.13.cloned.1.call-start
scs
__scs_entry_jumppad:
0x0: {  	(pc) =	sbr.rel $0x88, $3  }
0x1: {  	(tag) =	ssettag $0x0;
	lr =	simm.s32 $0x1  }
0x2: {  	[smem:$0x3F94] =	sst lr;
	_ =	strace $0xD0000000  }
0x3: {  	_ = 	snop  }
0x4: {  	_ = 	snop  }
0x5: {  	_ = 	snop  }
0x6: {  	_ = 	snop  }
0x7: {  	_ = 	snop  }
__scs_overlays_trampoline_lowered:
0x8: {  	[smem:$0x3FA3] =	sst s0  }
0x9: {  	[smem:$0x3FA4] =	sst s1  }
0xa: {  	[smem:$0x3FA5] =	sst s2  }
0xb: {  	[smem:$0x3FA6] =	sst s3  }
0xc: {  	[smem:$0x3FA7] =	sst s4  }
0xd: {  	[smem:$0x3FA8] =	sst s5  }
0xe: {  	[smem:$0x3FA9] =	sst s6  }
0xf: {  	[smem:$0x3FAA] =	sst s7  }
0x10: {  	[smem:$0x3FAB] =	sst s8  }
0x11: {  	[smem:$0x3FAC] =	sst s9;
	s0 =	simm.s32 @!p0 $0x0  }
0x12: {  	s1 =	sld [smem:$0x3F92];
	s0 =	simm.s32 @p0 $0x1  }
0x13: {  	[smem:$0x3FAD] =	sst s0;
	s0 =	simm.s32 @!p1 $0x0  }
0x14: {  	s2 =	sld [smem:$0x3F91];
	s0 =	simm.s32 @p1 $0x1  }
0x15: {  	[smem:$0x3FAE] =	sst s0;
	s0 =	simm.s32 @!p2 $0x0  }
0x16: {  	s3 =	sld [smem:$0x3FDB];
	s0 =	simm.s32 @p2 $0x1  }
0x17: {  	s4 =	simm.s32 $0x1BF5;
	[smem:$0x3FB0] =	sst s0  }
0x18: {  	s0 =	sld [smem:$0x3F93];
	_ =	swait.ge [sflag:s4], $0x0  }
0x19: {  	s7 =	sld [smem:$0x3F94]  }
0x1a: {  	s8 =	sadd.s32 $0xFFFFE003, lr  }
0x1b: {  	s9 =	sadd.s32 $0xFFFFFEF7, lr;
	s5 =	simm.s32 $0xFFFFFFFF;
	p2 =	slt.u32 s8, $0xFFFFF086  }
0x1c: {  	p1 =	slt.u32 s9, $0xF7A;
	s5 =	simm.s32 @!p2 $0x0  }
0x1d: {  	s5 =	simm.s32 @p1 $0x1;
	p0 =	seq.s32 s7, s2  }
0x1e: {  	s7 =	smul.u32 @!p0 $0xF7A, s2;
	p2 =	seq.s32 @!p0 s5, $0x0  }
0x1f: {  	s9 =	smul.u32 $0xF7A, s1;
	s8 =	simm.s32 @!p0 $0x1BF5;
	p2 =	por !p2, p0  }
0x20: {  	[sflag:s8] =	ssyncset.s32 @!p0 $0xFFFFF086;
	s6 =	sadd.s32 @!p0 s3, s7;
	s7 =	simm.s32 @!p0 $0x108  }
0x21: {  	s3 =	sadd.s32 s3, s9;
	s6 =	sadd.s32 @!p0 $0x88, s6;
	s7 =	simm.s32 @p2 $0x1082  }
0x22: {  	[simem:s7], [sflag:s8] =	dma.local @!p0 [hbm:s6], $0xF7A  }
0x23: {  	s9 =	sor.u32 $0xD0000000, s2;
	s6 =	simm.s32 $0x108;
	_ =	swait.ge @!p0 [sflag:s8], $0x0  }
0x24: {  	s3 =	sadd.s32 $0x88, s3;
	s6 =	simm.s32 @!p1 $0x1082;
	[sflag:s4] =	ssyncset.s32 $0xFFFFF086  }
0x25: {  	[simem:s6], [sflag:s4] =	dma.local [hbm:s3], $0xF7A  }
0x26: {  	[smem:$0x3F94] =	sst s1;
	(tag) =	ssettag s2;
	_ =	strace s9  }
0x27: {  	s1 =	sld [smem:$0x3FA4]  }
0x28: {  	s2 =	sld [smem:$0x3FA5]  }
0x29: {  	s4 =	sld [smem:$0x3FA7]  }
0x2a: {  	p0 =	seq.s32 s5, $0x0;
	s5 =	sld [smem:$0x3FA8]  }
0x2b: {  	s6 =	sld [smem:$0x3FA9]  }
0x2c: {  	s7 =	sld [smem:$0x3FAA]  }
0x2d: {  	s3 =	simm.s32 $0x108;
	s8 =	sld [smem:$0x3FAB]  }
0x2e: {  	s3 =	simm.s32 @!p0 $0x1082;
	s9 =	sld [smem:$0x3FAC]  }
0x2f: {  	lr =	sadd.s32 s0, s3;
	s0 =	sld [smem:$0x3FA3]  }
0x30: {  	s3 =	sld [smem:$0x3FA6]  }
0x31: {  	[smem:$0x3FAF] =	sst s10  }
0x32: {  	s10 =	sld [smem:$0x3FAD];
	_ =	sdelay $0x3  }
0x33: {  	p0 =	seq.s32 s10, $0x1;
	s10 =	sld [smem:$0x3FAF];
	_ =	sdelay $0x3  }
0x34: {  	[smem:$0x3FAF] =	sst s10  }
0x35: {  	s10 =	sld [smem:$0x3FAE];
	_ =	sdelay $0x3  }
0x36: {  	p1 =	seq.s32 s10, $0x1;
	s10 =	sld [smem:$0x3FAF];
	_ =	sdelay $0x3  }
0x37: {  	[smem:$0x3FAF] =	sst s10  }
0x38: {  	s10 =	sld [smem:$0x3FB0]  }
0x39: {  	_ = 	snop;
	(pc) =	sbr.ind lr, $3  }
0x3a: {  	_ = 	snop  }
0x3b: {  	_ = 	snop  }
0x3c: {  	p2 =	seq.s32 s10, $0x1;
	s10 =	sld [smem:$0x3FAF]  }
0x3d: {  	_ =	shalt  }
0x3e: {  	_ =	shalt  }
0x3f: {  	_ =	shalt  }
0x40: {  	_ =	shalt  }
0x41: {  	_ =	shalt  }
0x42: {  	_ =	shalt  }
0x43: {  	_ =	shalt  }
0x44: {  	_ =	shalt  }
0x45: {  	_ =	shalt  }
0x46: {  	_ =	shalt  }
0x47: {  	_ =	shalt  }
0x48: {  	_ =	shalt  }
0x49: {  	_ =	shalt  }
0x4a: {  	_ =	shalt  }
0x4b: {  	_ =	shalt  }
0x4c: {  	_ =	shalt  }
0x4d: {  	_ =	shalt  }
0x4e: {  	_ =	shalt  }
0x4f: {  	_ =	shalt  }
0x50: {  	_ =	shalt  }
0x51: {  	_ =	shalt  }
0x52: {  	_ =	shalt  }
0x53: {  	_ =	shalt  }
0x54: {  	_ =	shalt  }
0x55: {  	_ =	shalt  }
0x56: {  	_ =	shalt  }
0x57: {  	_ =	shalt  }
0x58: {  	_ =	shalt  }
0x59: {  	_ =	shalt  }
0x5a: {  	_ =	shalt  }
0x5b: {  	_ =	shalt  }
0x5c: {  	_ =	shalt  }
0x5d: {  	_ =	shalt  }
0x5e: {  	_ =	shalt  }
0x5f: {  	_ =	shalt  }
0x60: {  	_ =	shalt  }
0x61: {  	_ =	shalt  }
0x62: {  	_ =	shalt  }
0x63: {  	_ =	shalt  }
0x64: {  	_ =	shalt  }
0x65: {  	_ =	shalt  }
0x66: {  	_ =	shalt  }
0x67: {  	_ =	shalt  }
0x68: {  	_ =	shalt  }
0x69: {  	_ =	shalt  }
0x6a: {  	_ =	shalt  }
0x6b: {  	_ =	shalt  }
0x6c: {  	_ =	shalt  }
0x6d: {  	_ =	shalt  }
0x6e: {  	_ =	shalt  }
0x6f: {  	_ =	shalt  }
0x70: {  	_ =	shalt  }
0x71: {  	_ =	shalt  }
0x72: {  	_ =	shalt  }
0x73: {  	_ =	shalt  }
0x74: {  	_ =	shalt  }
0x75: {  	_ =	shalt  }
0x76: {  	_ =	shalt  }
0x77: {  	_ =	shalt  }
0x78: {  	_ =	shalt  }
0x79: {  	_ =	shalt  }
0x7a: {  	_ =	shalt  }
0x7b: {  	_ =	shalt  }
0x7c: {  	_ =	shalt  }
0x7d: {  	_ =	shalt  }
0x7e: {  	_ =	shalt  }
0x7f: {  	_ =	shalt  }
0x80: {  	_ =	shalt  }
0x81: {  	_ =	shalt  }
0x82: {  	_ =	shalt  }
0x83: {  	_ =	shalt  }
0x84: {  	_ =	shalt  }
0x85: {  	_ =	shalt  }
0x86: {  	_ =	shalt  }
0x87: {  	_ =	shalt  }
.Lfunc_end0:
.L_simem_size_0:
called_computation.1_lowered:
.L_overlay_start_0:
0x88: {  	s2 =	sld [smem:$0x3FD9]  }
0x89: {  	s3 =	sld [smem:$0x3FFE];
	_ =	sdelay $0x1  }
0x8a: {  	s1 =	srdreg.scid  }
0x8b: {  	s0 =	sand.u32 $0x1, s1  }
0x8c: {  	s16 =	sshll.u32 s0, $0xA;
	s2 =	sadd.s32 s3, s2  }
0x8d: {  	s2 =	sadd.s32 s2, s16  }
0x8e: {  	[smem:$0x3FBB] =	sst s2  }
0x8f: {  	_ = 	snop  }
0x90: {  	(tm) =	ssettm $0x1  }
0x91: {  	s17 =	sld [smem:$0x3FFB];
	_ =	sdelay $0x3  }
0x92: {  	_ =	strace s17  }
0x93: {  	s2 =	sld [smem:$0x3FFC];
	_ =	sdelay $0x3  }
0x94: {  	_ =	strace s2  }
0x95: {  	s2 =	sld [smem:$0x3FFD];
	_ =	sdelay $0x3  }
0x96: {  	_ =	strace s2  }
0x97: {  	_ =	strace $0x8FFFFFFF  }
0x98: {  	s18 =	sld [smem:$0x3FDB];
	_ =	sdelay $0x1  }
0x99: {  	s19 =	simm.s32 $_scs_section_size  }
0x9a: {  	s4 =	simm.s32 $_size__tile_overlayer_lowered;
	s5 =	simm.s32 $_tile_overlayer_lowered  }
0x9b: {  	s22 =	simm.s32 $0x1BFF;
	s21 =	sshll.u32 s5, $0x1;
	s2 =	sadd.s32 s19, s18  }
0x9c: {  	s6 =	simm.s32 $0x0;
	s20 =	sshll.u32 s4, $0x1;
	s4 =	sadd.s32 s21, s2  }
0x9d: {  	[timem:s6], [sflag:s22] =	dma.local [hbm:s4], s20  }
0x9e: {  	_ =	swait.ge [sflag:s22], s20  }
0x9f: {  	s3 =	ssub.s32 $0x0, s20;
	[sflag:s22] =	ssyncset.done $0x0  }
0xa0: {  	[sflag:s22] =	ssyncadd.s32 s3;
	_ =	sdelay $0x1  }
0xa1: {  	s23 =	simm.s32 $0x1B8B  }
0xa2: {  	_ =	swait.ge [sflag:s23], $0x1  }
0xa3: {  	[sflag:s23] =	ssyncset.done $0x0  }
0xa4: {  	s25 =	simm.s32 $0x1B8E;
	s24 =	sld [smem:$0x3FFE];
	[sflag:s23] =	ssyncadd.s32 $0xFFFFFFFF  }
0xa5: {  	s26 =	simm.s32 $execute0_lowered;
	[smem:$0x3FD2] =	sst s25  }
0xa6: {  	s4 =	sshll.u32 s26, $0x1;
	_ =	strace $0x80000049;
	[dreg:$0x1] =	wrdreg $0xFFFFFFFF  }
0xa7: {  	s28 =	simm.s32 $_size_execute0_lowered;
	s2 =	sadd.s32 s2, s4;
	[dreg:$0x0] =	wrdreg $0x0  }
0xa8: {  	s4 =	sshll.u32 s28, $0x1;
	[dreg:$0x2] =	wrdreg s2  }
0xa9: {  	[dreg:$0x3] =	wrdreg s4  }
0xaa: {  	[dreg:$0x4] =	wrdreg $0xC0  }
0xab: {  	_ =	task [dreg:s6], $0x5FFFF  }
0xac: {  	[dreg:$0x1] =	wrdreg $0xFFFFFFFF  }
0xad: {  	[dreg:$0x0] =	wrdreg $0x60  }
0xae: {  	[dreg:$0x2] =	wrdreg s24  }
0xaf: {  	[dreg:$0x3] =	wrdreg $0xA8000  }
0xb0: {  	[dreg:$0x4] =	wrdreg $0x9  }
0xb1: {  	_ =	task.clear_ibuf [dreg:s6], $0x5FFFF;
	_ =	strace $0x90000049  }
0xb2: {  	s29 =	simm.s32 $0x9;
	_ =	strace $0x8000004B  }
0xb3: {  	_ =	swait.ge [sflag:s29], $0x1  }
0xb4: {  	[sflag:s29] =	ssyncadd.s32 $0xFFFFFFFF  }
0xb5: {  	_ =	strace $0x9000004B  }
0xb6: {  	_ =	sfence  }
0xb7: {  	s30 =	sld [smem:$0x0];
	_ =	sdelay $0x2  }
0xb8: {  	s31 =	sshll.u32 s1, $0xD;
	s1 =	sshrl.u32 s1, $0x2  }
0xb9: {  	s3 =	sand.u32 $0x4000, s31;
	s1 =	sadd.s32 s1, s30  }
0xba: {  	s0 =	sor.u32 s3, s0;
	s1 =	sshll.u32 s1, $0x11  }
0xbb: {  	s0 =	sor.u32 s1, s0  }
0xbc: {  	s0 =	sadd.s32 $0x8F2B, s0  }
0xbd: {  	[sflag:s0] =	ssyncadd.remote.s32 $0x1  }
0xbe: {  	_ =	sfence.sel $0xFFFF  }
0xbf: {  	[dreg:$0x0] =	wrdreg $0xFFFFFFFF;
	(pc) =	sbr.abs _section_cstart, $3  }
0xc0: {  	[dreg:$0x1] =	wrdreg $0xFFFFFFFF  }
0xc1: {  	_ =	task.clear_ibuf [dreg:s6], $0x2FFFF;
	_ =	strace $0x9FFFFFFF  }
0xc2: {  	(tm) =	ssettm $0x7FFFFFFF  }
0xc3: {  	_ =	shalt  }
tec
execute0_lowered:
.L_overlay_start_1:
0x0: {  	(tag) =	ssettag $0x1  }
0x1: {  	s4 =	rddreg [dreg:$0x0]  }
0x2: {  	s2 =	rddreg [dreg:$0x1]  }
0x3: {  	s0 =	rddreg [dreg:$0x2];
	s3 =	simm.s32 $0x0  }
0x4: {  	s1 =	stileid.u32;
	s5 =	srdreg.scid;
	s14 =	simm.s32 $0x1400  }
0x5: {  	s15 =	simm.s32 $0x80;
	s16 =	simm.s32 $0x2800;
	s17 =	simm.s32 $0x6800  }
0x6: {  	s18 =	simm.s32 $0x1;
	s19 =	simm.s32 $0x2;
	s20 =	simm.s32 $0x2700  }
0x7: {  	s21 =	simm.s32 $0x2780;
	[smem:$0x7FF] =	sst s3;
	s22 =	smul.u32 $0x2900, s1  }
0x8: {  	s5 =	sand.u32 $0x1, s5;
	s10 =	sadd.s32 $0x81E00, s4;
	s8 =	smul.u32 $0x52000, s1  }
0x9: {  	s11 =	sadd.s32 $0x1600, s4;
	s28 =	sshll.u32 s1, $0x6;
	s29 =	smul.u32 $0x2800, s1  }
0xa: {  	_ =	strace $0x8000004A;
	s6 =	smul.u32 $0x29000, s5;
	s5 =	ssub.s32 $0x2, s5  }
0xb: {  	s7 =	sshrl.u32 s5, $0x1;
	s9 =	sadd.s32 s22, s4;
	s26 =	sshrl.u32 s8, $0x2  }
0xc: {  	s30 =	sshrl.u32 s29, $0x3;
	s12 =	sadd.s32 s6, s4;
	s7 =	ssub.s32 s5, s7  }
0xd: {  	s13 =	sadd.s32 s26, s2;
	s4 =	sadd.s32 $0x6600, s9;
	s5 =	sor.u32 $0x1C03, s28  }
0xe: {  	s8 =	sadd.s32 s10, s30;
	s31 =	sadd.s32 $0x280, s30;
	s9 =	sadd.s32 s11, s30  }
0xf: {  	s6 =	sadd.s32 $0x2F600, s12;
	s23 =	sadd.s32 $0x86E00, s12;
	s7 =	smax.u32 s7, $0x1  }
0x10: {  	s10 =	sadd.s32 s10, s31;
	s11 =	sadd.s32 s11, s31;
	s12 =	sshrl.u32 s13, $0x3  }
0x11: {  	s13 =	simm.s32 $0x3;
	s22 =	sadd.s32 s22, s23;
	s23 =	simm.s32 $0x0  }
.LBB2_1:
0x12: {  	[spmem:s12], [sflag:s5] =	dma.local [hbm:s4], $0x2900  }
0x13: {  	_ =	swait.ge [sflag:s13], $0x2900  }
0x14: {  	[sflag:s13] =	ssyncset.done $0x0  }
0x15: {  	[sflag:s13] =	ssyncadd.s32 $0xFFFFD700  }
0x16: {  	[bflag:$0x0] =	sbarrier.arrive $0xFFFF  }
0x17: {  	[tilespmem:s3], [sflag:$0x3] =	stream.linear.gather [hbm4b:s8+s3], $0x1400, $0x38;
	[tilespmem:$0x1F000] =	vst v63  }
0x18: {  	_ =	swait.ge [sflag:s13], $0x1400  }
0x19: {  	[sflag:s13] =	ssyncset.done $0x0  }
0x1a: {  	[sflag:s13] =	ssyncadd.s32 $0xFFFFEC00  }
0x1b: {  	[tilespmem:s14], [sflag:$0x3] =	stream.linear.gather [hbm4b:s9+s3], $0x1400, $0x38;
	[tilespmem:$0x1F000] =	vst v63  }
0x1c: {  	_ =	swait.ge [sflag:s13], $0x1400  }
0x1d: {  	[sflag:s13] =	ssyncset.done $0x0  }
0x1e: {  	[sflag:s13] =	ssyncadd.s32 $0xFFFFEC00  }
0x1f: {  	[tilespmem:s16], [sflag:$0x1] =	stream.indirect.gather [hbm4b:s6+s15], $0x80, s3, s15, $0xb8;
	[tilespmem:$0x1F000] =	vst v63  }
0x20: {  	_ = 	snop  }
0x21: {  	[tilespmem:s17], [sflag:$0x2] =	stream.indirect.gather [hbm4b:s6+s15], $0x80, s15, s15, $0xb8;
	[tilespmem:$0x1F000] =	vst v63  }
0x22: {  	_ =	swait.ge [sflag:s18], $0x4000  }
0x23: {  	[sflag:s18] =	ssyncset.done $0x0  }
0x24: {  	s24 =	simm.s32 $0x1400;
	[sflag:s18] =	ssyncadd.s32 $0xFFFFC000  }
0x25: {  	[spmem:s2] =	stream.indirect.scatter.add.f32 [tilespmem:s16], [sflag:$0x3], $0x80, s24, s15, $0xb8;
	[tilespmem:$0x1F000] =	vst v63  }
0x26: {  	_ =	swait.ge [sflag:s13], $0x4000  }
0x27: {  	[sflag:s13] =	ssyncset.done $0x0  }
0x28: {  	s30 =	simm.s32 $0x100;
	[sflag:s13] =	ssyncadd.s32 $0xFFFFC000  }
0x29: {  	[tilespmem:s16], [sflag:$0x1] =	stream.indirect.gather [hbm4b:s6+s15], $0x80, s30, s15, $0xb8;
	[tilespmem:$0x1F000] =	vst v63  }
0x2a: {  	_ =	swait.ge [sflag:s19], $0x4000  }
0x2b: {  	[sflag:s19] =	ssyncset.done $0x0  }
0x2c: {  	s31 =	simm.s32 $0x1480;
	[sflag:s19] =	ssyncadd.s32 $0xFFFFC000  }
0x2d: {  	[spmem:s2] =	stream.indirect.scatter.add.f32 [tilespmem:s17], [sflag:$0x3], $0x80, s31, s15, $0xb8;
	[tilespmem:$0x1F000] =	vst v63  }
0x2e: {  	_ =	swait.ge [sflag:s13], $0x4000  }
0x2f: {  	[sflag:s13] =	ssyncset.done $0x0  }
0x30: {  	s25 =	simm.s32 $0x180;
	s24 =	simm.s32 $0x400;
	[sflag:s13] =	ssyncadd.s32 $0xFFFFC000  }
.LBB2_2:
0x31: {  	[tilespmem:s17], [sflag:$0x2] =	stream.indirect.gather [hbm4b:s6+s15], $0x80, s25, s15, $0xb8;
	[tilespmem:$0x1F000] =	vst v63  }
0x32: {  	s25 =	smov.u32 s24  }
0x33: {  	p0 =	sne.s32 s24, $0x4800;
	s24 =	sadd.s32 $0x400, s24;
	_ =	swait.ge [sflag:s18], $0x4000  }
0x34: {  	s25 =	sshra.s32 s25, $0x2;
	[sflag:s18] =	ssyncset.done $0x0  }
0x35: {  	s26 =	sadd.s32 $0x1400, s25;
	[sflag:s18] =	ssyncadd.s32 $0xFFFFC000  }
0x36: {  	[spmem:s2] =	stream.indirect.scatter.add.f32 [tilespmem:s16], [sflag:$0x3], $0x80, s26, s15, $0xb8;
	[tilespmem:$0x1F000] =	vst v63  }
0x37: {  	_ =	swait.ge [sflag:s13], $0x4000  }
0x38: {  	[sflag:s13] =	ssyncset.done $0x0  }
0x39: {  	s26 =	sadd.s32 $0x100, s25;
	[sflag:s13] =	ssyncadd.s32 $0xFFFFC000  }
0x3a: {  	[tilespmem:s16], [sflag:$0x1] =	stream.indirect.gather [hbm4b:s6+s15], $0x80, s26, s15, $0xb8;
	[tilespmem:$0x1F000] =	vst v63  }
0x3b: {  	_ =	swait.ge [sflag:s19], $0x4000  }
0x3c: {  	[sflag:s19] =	ssyncset.done $0x0  }
.Ltmp0:
0x3d: {  	s26 =	sadd.s32 $0x1480, s25;
	[sflag:s19] =	ssyncadd.s32 $0xFFFFC000;
	(pc) =	sbr.rel @p0 .LBB2_2-.Ltmp0, $4  }
0x3e: {  	[spmem:s2] =	stream.indirect.scatter.add.f32 [tilespmem:s17], [sflag:$0x3], $0x80, s26, s15, $0xb8;
	[tilespmem:$0x1F000] =	vst v63  }
0x3f: {  	_ =	swait.ge [sflag:s13], $0x4000  }
0x40: {  	[sflag:s13] =	ssyncset.done $0x0  }
0x41: {  	s25 =	sadd.s32 $0x180, s25;
	[sflag:s13] =	ssyncadd.s32 $0xFFFFC000  }
0x42: {  	[tilespmem:s17], [sflag:$0x2] =	stream.indirect.gather [hbm4b:s6+s15], $0x80, s25, s15, $0xb8;
	[tilespmem:$0x1F000] =	vst v63  }
0x43: {  	_ =	swait.ge [sflag:s18], $0x4000  }
0x44: {  	[sflag:s18] =	ssyncset.done $0x0  }
0x45: {  	[sflag:s18] =	ssyncadd.s32 $0xFFFFC000  }
0x46: {  	[spmem:s2] =	stream.indirect.scatter.add.f32 [tilespmem:s16], [sflag:$0x3], $0x80, s20, s15, $0xb8;
	[tilespmem:$0x1F000] =	vst v63  }
0x47: {  	_ =	swait.ge [sflag:s13], $0x4000  }
0x48: {  	[sflag:s13] =	ssyncset.done $0x0  }
0x49: {  	[sflag:s13] =	ssyncadd.s32 $0xFFFFC000  }
0x4a: {  	_ =	swait.ge [sflag:s19], $0x4000  }
0x4b: {  	[sflag:s19] =	ssyncset.done $0x0  }
0x4c: {  	[sflag:s19] =	ssyncadd.s32 $0xFFFFC000  }
0x4d: {  	[spmem:s2] =	stream.indirect.scatter.add.f32 [tilespmem:s17], [sflag:$0x3], $0x80, s21, s15, $0xb8;
	[tilespmem:$0x1F000] =	vst v63  }
0x4e: {  	_ =	swait.ge [sflag:s13], $0x4000  }
0x4f: {  	[sflag:s13] =	ssyncset.done $0x0  }
0x50: {  	s24 =	simm.s32 $0x0;
	[sflag:s13] =	ssyncadd.s32 $0xFFFFC000  }
0x51: {  	[tilespmem:s24], [sflag:$0x3] =	stream.linear.gather [hbm4b:s10+s24], $0x1400, $0x38;
	[tilespmem:$0x1F000] =	vst v63  }
0x52: {  	_ =	swait.ge [sflag:s13], $0x1400  }
0x53: {  	[sflag:s13] =	ssyncset.done $0x0  }
0x54: {  	[sflag:s13] =	ssyncadd.s32 $0xFFFFEC00  }
0x55: {  	[tilespmem:s14], [sflag:$0x3] =	stream.linear.gather [hbm4b:s11+s24], $0x1400, $0x38;
	[tilespmem:$0x1F000] =	vst v63  }
0x56: {  	_ =	swait.ge [sflag:s13], $0x1400  }
0x57: {  	[sflag:s13] =	ssyncset.done $0x0  }
0x58: {  	[sflag:s13] =	ssyncadd.s32 $0xFFFFEC00  }
0x59: {  	[tilespmem:s16], [sflag:$0x1] =	stream.indirect.gather [hbm4b:s6+s15], $0x80, s24, s15, $0xb8;
	[tilespmem:$0x1F000] =	vst v63  }
0x5a: {  	_ = 	snop  }
0x5b: {  	[tilespmem:s17], [sflag:$0x2] =	stream.indirect.gather [hbm4b:s6+s15], $0x80, s15, s15, $0xb8;
	[tilespmem:$0x1F000] =	vst v63  }
0x5c: {  	_ =	swait.ge [sflag:s18], $0x4000  }
0x5d: {  	[sflag:s18] =	ssyncset.done $0x0  }
0x5e: {  	s29 =	simm.s32 $0x1400;
	[sflag:s18] =	ssyncadd.s32 $0xFFFFC000  }
0x5f: {  	[spmem:s2] =	stream.indirect.scatter.add.f32 [tilespmem:s16], [sflag:$0x3], $0x80, s29, s15, $0xb8;
	[tilespmem:$0x1F000] =	vst v63  }
0x60: {  	_ =	swait.ge [sflag:s13], $0x4000  }
0x61: {  	[sflag:s13] =	ssyncset.done $0x0  }
0x62: {  	s30 =	simm.s32 $0x100;
	[sflag:s13] =	ssyncadd.s32 $0xFFFFC000  }
0x63: {  	[tilespmem:s16], [sflag:$0x1] =	stream.indirect.gather [hbm4b:s6+s15], $0x80, s30, s15, $0xb8;
	[tilespmem:$0x1F000] =	vst v63  }
0x64: {  	_ =	swait.ge [sflag:s19], $0x4000  }
0x65: {  	[sflag:s19] =	ssyncset.done $0x0  }
0x66: {  	s31 =	simm.s32 $0x1480;
	[sflag:s19] =	ssyncadd.s32 $0xFFFFC000  }
0x67: {  	[spmem:s2] =	stream.indirect.scatter.add.f32 [tilespmem:s17], [sflag:$0x3], $0x80, s31, s15, $0xb8;
	[tilespmem:$0x1F000] =	vst v63  }
0x68: {  	_ =	swait.ge [sflag:s13], $0x4000  }
0x69: {  	[sflag:s13] =	ssyncset.done $0x0  }
0x6a: {  	s25 =	simm.s32 $0x180;
	s24 =	simm.s32 $0x400;
	[sflag:s13] =	ssyncadd.s32 $0xFFFFC000  }
.LBB2_4:
0x6b: {  	[tilespmem:s17], [sflag:$0x2] =	stream.indirect.gather [hbm4b:s6+s15], $0x80, s25, s15, $0xb8;
	[tilespmem:$0x1F000] =	vst v63  }
0x6c: {  	s25 =	smov.u32 s24  }
0x6d: {  	p0 =	sne.s32 s24, $0x4800;
	s24 =	sadd.s32 $0x400, s24;
	_ =	swait.ge [sflag:s18], $0x4000  }
0x6e: {  	s25 =	sshra.s32 s25, $0x2;
	[sflag:s18] =	ssyncset.done $0x0  }
0x6f: {  	s26 =	sadd.s32 $0x1400, s25;
	[sflag:s18] =	ssyncadd.s32 $0xFFFFC000  }
0x70: {  	[spmem:s2] =	stream.indirect.scatter.add.f32 [tilespmem:s16], [sflag:$0x3], $0x80, s26, s15, $0xb8;
	[tilespmem:$0x1F000] =	vst v63  }
0x71: {  	_ =	swait.ge [sflag:s13], $0x4000  }
0x72: {  	[sflag:s13] =	ssyncset.done $0x0  }
0x73: {  	s26 =	sadd.s32 $0x100, s25;
	[sflag:s13] =	ssyncadd.s32 $0xFFFFC000  }
0x74: {  	[tilespmem:s16], [sflag:$0x1] =	stream.indirect.gather [hbm4b:s6+s15], $0x80, s26, s15, $0xb8;
	[tilespmem:$0x1F000] =	vst v63  }
0x75: {  	_ =	swait.ge [sflag:s19], $0x4000  }
0x76: {  	[sflag:s19] =	ssyncset.done $0x0  }
.Ltmp1:
0x77: {  	s26 =	sadd.s32 $0x1480, s25;
	[sflag:s19] =	ssyncadd.s32 $0xFFFFC000;
	(pc) =	sbr.rel @p0 .LBB2_4-.Ltmp1, $4  }
0x78: {  	[spmem:s2] =	stream.indirect.scatter.add.f32 [tilespmem:s17], [sflag:$0x3], $0x80, s26, s15, $0xb8;
	[tilespmem:$0x1F000] =	vst v63  }
0x79: {  	_ =	swait.ge [sflag:s13], $0x4000  }
0x7a: {  	[sflag:s13] =	ssyncset.done $0x0  }
0x7b: {  	s25 =	sadd.s32 $0x180, s25;
	[sflag:s13] =	ssyncadd.s32 $0xFFFFC000  }
0x7c: {  	[tilespmem:s17], [sflag:$0x2] =	stream.indirect.gather [hbm4b:s6+s15], $0x80, s25, s15, $0xb8;
	[tilespmem:$0x1F000] =	vst v63  }
0x7d: {  	_ =	swait.ge [sflag:s18], $0x4000  }
0x7e: {  	[sflag:s18] =	ssyncset.done $0x0  }
0x7f: {  	[sflag:s18] =	ssyncadd.s32 $0xFFFFC000  }
0x80: {  	[spmem:s2] =	stream.indirect.scatter.add.f32 [tilespmem:s16], [sflag:$0x3], $0x80, s20, s15, $0xb8;
	[tilespmem:$0x1F000] =	vst v63  }
0x81: {  	_ =	swait.ge [sflag:s13], $0x4000  }
0x82: {  	[sflag:s13] =	ssyncset.done $0x0  }
0x83: {  	[sflag:s13] =	ssyncadd.s32 $0xFFFFC000  }
0x84: {  	_ =	swait.ge [sflag:s19], $0x4000  }
0x85: {  	[sflag:s19] =	ssyncset.done $0x0  }
0x86: {  	[sflag:s19] =	ssyncadd.s32 $0xFFFFC000  }
0x87: {  	[spmem:s2] =	stream.indirect.scatter.add.f32 [tilespmem:s17], [sflag:$0x3], $0x80, s21, s15, $0xb8;
	[tilespmem:$0x1F000] =	vst v63  }
0x88: {  	_ =	swait.ge [sflag:s13], $0x4000  }
0x89: {  	s23 =	sadd.s32 $0x1, s23;
	[sflag:s13] =	ssyncset.done $0x0  }
0x8a: {  	p0 =	sne.s32 s23, s7;
	[sflag:s13] =	ssyncadd.s32 $0xFFFFC000  }
.Ltmp2:
0x8b: {  	[bflag:$0x0] =	sbarrier.arrive $0xFFFF;
	(pc) =	sbr.rel @p0 .LBB2_1-.Ltmp2, $4  }
0x8c: {  	[hbm:s22], [sflag:s5] =	dma.local [spmem:s12], $0x2900  }
0x8d: {  	_ =	swait.ge [sflag:s13], $0x2900  }
0x8e: {  	[sflag:s13] =	ssyncset.done $0x0  }
0x8f: {  	[sflag:s13] =	ssyncadd.s32 $0xFFFFD700  }
0x90: {  	_ =	sfence.sel $0x180000  }
0x91: {  	[bflag:$0x0] =	sbarrier.arrive $0xFFFF  }
0x92: {  	p0 =	sne.s32 s1, $0x0;
	_ =	strace $0x9000004A  }
0x93: {  	s0 =	sadd.s32 @!p0 $0x100000, s0;
	[bflag:$0x2] =	sbarrier.arrive $0xFFFF  }
0x94: {  	[sflag:s0] =	ssyncadd.tile.s32 @!p0 $0x1;
	_ =	shalt  }
.Lfunc_end2:
_tile_overlayer_lowered:
.L_overlay_start_2:
0x95: {  	(tag) =	ssettag $0x2  }
0x96: {  	s0 =	rddreg [dreg:$0x0];
	s2 =	stileid.u32  }
0x97: {  	s1 =	rddreg [dreg:$0x1];
	p0 =	sne.s32 s2, $0x0  }
0x98: {  	s3 =	rddreg [dreg:$0x2];
	[bflag:$0x3] =	sbarrier.arrive $0xFFFF;
	s2 =	simm.s32 @!p0 $0x1C03  }
0x99: {  	[timem:s3], [sflag:s2] =	dma.local @!p0 [hbm:s0], s1  }
0x9a: {  	s0 =	simm.s32 @!p0 $0x3  }
0x9b: {  	_ =	swait.ge @!p0 [sflag:s0], s1  }
0x9c: {  	s1 =	ssub.s32 @!p0 $0x0, s1;
	[sflag:s0] =	ssyncset.done @!p0 $0x0  }
0x9d: {  	[sflag:s0] =	ssyncadd.s32 @!p0 s1  }
0x9e: {  	[bflag:$0x3] =	sbarrier.arrive $0xFFFF  }
0x9f: {  	_ =	shalt  }

// kernel: kernel.16.cloned.1.call-start
scs
__scs_entry_jumppad:
0x0: {  	(pc) =	sbr.rel $0x88, $3  }
0x1: {  	(tag) =	ssettag $0x0;
	lr =	simm.s32 $0x1  }
0x2: {  	[smem:$0x3F94] =	sst lr;
	_ =	strace $0xD0000000  }
0x3: {  	_ = 	snop  }
0x4: {  	_ = 	snop  }
0x5: {  	_ = 	snop  }
0x6: {  	_ = 	snop  }
0x7: {  	_ = 	snop  }
__scs_overlays_trampoline_lowered:
0x8: {  	[smem:$0x3FA3] =	sst s0  }
0x9: {  	[smem:$0x3FA4] =	sst s1  }
0xa: {  	[smem:$0x3FA5] =	sst s2  }
0xb: {  	[smem:$0x3FA6] =	sst s3  }
0xc: {  	[smem:$0x3FA7] =	sst s4  }
0xd: {  	[smem:$0x3FA8] =	sst s5  }
0xe: {  	[smem:$0x3FA9] =	sst s6  }
0xf: {  	[smem:$0x3FAA] =	sst s7  }
0x10: {  	[smem:$0x3FAB] =	sst s8  }
0x11: {  	[smem:$0x3FAC] =	sst s9;
	s0 =	simm.s32 @!p0 $0x0  }
0x12: {  	s1 =	sld [smem:$0x3F92];
	s0 =	simm.s32 @p0 $0x1  }
0x13: {  	[smem:$0x3FAD] =	sst s0;
	s0 =	simm.s32 @!p1 $0x0  }
0x14: {  	s2 =	sld [smem:$0x3F91];
	s0 =	simm.s32 @p1 $0x1  }
0x15: {  	[smem:$0x3FAE] =	sst s0;
	s0 =	simm.s32 @!p2 $0x0  }
0x16: {  	s3 =	sld [smem:$0x3FDB];
	s0 =	simm.s32 @p2 $0x1  }
0x17: {  	s4 =	simm.s32 $0x1BF5;
	[smem:$0x3FB0] =	sst s0  }
0x18: {  	s0 =	sld [smem:$0x3F93];
	_ =	swait.ge [sflag:s4], $0x0  }
0x19: {  	s7 =	sld [smem:$0x3F94]  }
0x1a: {  	s8 =	sadd.s32 $0xFFFFE003, lr  }
0x1b: {  	s9 =	sadd.s32 $0xFFFFFEF7, lr;
	s5 =	simm.s32 $0xFFFFFFFF;
	p2 =	slt.u32 s8, $0xFFFFF086  }
0x1c: {  	p1 =	slt.u32 s9, $0xF7A;
	s5 =	simm.s32 @!p2 $0x0  }
0x1d: {  	s5 =	simm.s32 @p1 $0x1;
	p0 =	seq.s32 s7, s2  }
0x1e: {  	s7 =	smul.u32 @!p0 $0xF7A, s2;
	p2 =	seq.s32 @!p0 s5, $0x0  }
0x1f: {  	s9 =	smul.u32 $0xF7A, s1;
	s8 =	simm.s32 @!p0 $0x1BF5;
	p2 =	por !p2, p0  }
0x20: {  	[sflag:s8] =	ssyncset.s32 @!p0 $0xFFFFF086;
	s6 =	sadd.s32 @!p0 s3, s7;
	s7 =	simm.s32 @!p0 $0x108  }
0x21: {  	s3 =	sadd.s32 s3, s9;
	s6 =	sadd.s32 @!p0 $0x88, s6;
	s7 =	simm.s32 @p2 $0x1082  }
0x22: {  	[simem:s7], [sflag:s8] =	dma.local @!p0 [hbm:s6], $0xF7A  }
0x23: {  	s9 =	sor.u32 $0xD0000000, s2;
	s6 =	simm.s32 $0x108;
	_ =	swait.ge @!p0 [sflag:s8], $0x0  }
0x24: {  	s3 =	sadd.s32 $0x88, s3;
	s6 =	simm.s32 @!p1 $0x1082;
	[sflag:s4] =	ssyncset.s32 $0xFFFFF086  }
0x25: {  	[simem:s6], [sflag:s4] =	dma.local [hbm:s3], $0xF7A  }
0x26: {  	[smem:$0x3F94] =	sst s1;
	(tag) =	ssettag s2;
	_ =	strace s9  }
0x27: {  	s1 =	sld [smem:$0x3FA4]  }
0x28: {  	s2 =	sld [smem:$0x3FA5]  }
0x29: {  	s4 =	sld [smem:$0x3FA7]  }
0x2a: {  	p0 =	seq.s32 s5, $0x0;
	s5 =	sld [smem:$0x3FA8]  }
0x2b: {  	s6 =	sld [smem:$0x3FA9]  }
0x2c: {  	s7 =	sld [smem:$0x3FAA]  }
0x2d: {  	s3 =	simm.s32 $0x108;
	s8 =	sld [smem:$0x3FAB]  }
0x2e: {  	s3 =	simm.s32 @!p0 $0x1082;
	s9 =	sld [smem:$0x3FAC]  }
0x2f: {  	lr =	sadd.s32 s0, s3;
	s0 =	sld [smem:$0x3FA3]  }
0x30: {  	s3 =	sld [smem:$0x3FA6]  }
0x31: {  	[smem:$0x3FAF] =	sst s10  }
0x32: {  	s10 =	sld [smem:$0x3FAD];
	_ =	sdelay $0x3  }
0x33: {  	p0 =	seq.s32 s10, $0x1;
	s10 =	sld [smem:$0x3FAF];
	_ =	sdelay $0x3  }
0x34: {  	[smem:$0x3FAF] =	sst s10  }
0x35: {  	s10 =	sld [smem:$0x3FAE];
	_ =	sdelay $0x3  }
0x36: {  	p1 =	seq.s32 s10, $0x1;
	s10 =	sld [smem:$0x3FAF];
	_ =	sdelay $0x3  }
0x37: {  	[smem:$0x3FAF] =	sst s10  }
0x38: {  	s10 =	sld [smem:$0x3FB0]  }
0x39: {  	_ = 	snop;
	(pc) =	sbr.ind lr, $3  }
0x3a: {  	_ = 	snop  }
0x3b: {  	_ = 	snop  }
0x3c: {  	p2 =	seq.s32 s10, $0x1;
	s10 =	sld [smem:$0x3FAF]  }
0x3d: {  	_ =	shalt  }
0x3e: {  	_ =	shalt  }
0x3f: {  	_ =	shalt  }
0x40: {  	_ =	shalt  }
0x41: {  	_ =	shalt  }
0x42: {  	_ =	shalt  }
0x43: {  	_ =	shalt  }
0x44: {  	_ =	shalt  }
0x45: {  	_ =	shalt  }
0x46: {  	_ =	shalt  }
0x47: {  	_ =	shalt  }
0x48: {  	_ =	shalt  }
0x49: {  	_ =	shalt  }
0x4a: {  	_ =	shalt  }
0x4b: {  	_ =	shalt  }
0x4c: {  	_ =	shalt  }
0x4d: {  	_ =	shalt  }
0x4e: {  	_ =	shalt  }
0x4f: {  	_ =	shalt  }
0x50: {  	_ =	shalt  }
0x51: {  	_ =	shalt  }
0x52: {  	_ =	shalt  }
0x53: {  	_ =	shalt  }
0x54: {  	_ =	shalt  }
0x55: {  	_ =	shalt  }
0x56: {  	_ =	shalt  }
0x57: {  	_ =	shalt  }
0x58: {  	_ =	shalt  }
0x59: {  	_ =	shalt  }
0x5a: {  	_ =	shalt  }
0x5b: {  	_ =	shalt  }
0x5c: {  	_ =	shalt  }
0x5d: {  	_ =	shalt  }
0x5e: {  	_ =	shalt  }
0x5f: {  	_ =	shalt  }
0x60: {  	_ =	shalt  }
0x61: {  	_ =	shalt  }
0x62: {  	_ =	shalt  }
0x63: {  	_ =	shalt  }
0x64: {  	_ =	shalt  }
0x65: {  	_ =	shalt  }
0x66: {  	_ =	shalt  }
0x67: {  	_ =	shalt  }
0x68: {  	_ =	shalt  }
0x69: {  	_ =	shalt  }
0x6a: {  	_ =	shalt  }
0x6b: {  	_ =	shalt  }
0x6c: {  	_ =	shalt  }
0x6d: {  	_ =	shalt  }
0x6e: {  	_ =	shalt  }
0x6f: {  	_ =	shalt  }
0x70: {  	_ =	shalt  }
0x71: {  	_ =	shalt  }
0x72: {  	_ =	shalt  }
0x73: {  	_ =	shalt  }
0x74: {  	_ =	shalt  }
0x75: {  	_ =	shalt  }
0x76: {  	_ =	shalt  }
0x77: {  	_ =	shalt  }
0x78: {  	_ =	shalt  }
0x79: {  	_ =	shalt  }
0x7a: {  	_ =	shalt  }
0x7b: {  	_ =	shalt  }
0x7c: {  	_ =	shalt  }
0x7d: {  	_ =	shalt  }
0x7e: {  	_ =	shalt  }
0x7f: {  	_ =	shalt  }
0x80: {  	_ =	shalt  }
0x81: {  	_ =	shalt  }
0x82: {  	_ =	shalt  }
0x83: {  	_ =	shalt  }
0x84: {  	_ =	shalt  }
0x85: {  	_ =	shalt  }
0x86: {  	_ =	shalt  }
0x87: {  	_ =	shalt  }
.Lfunc_end0:
.L_simem_size_0:
called_computation.2_lowered:
.L_overlay_start_0:
0x88: {  	s2 =	sld [smem:$0x3FD9]  }
0x89: {  	s3 =	sld [smem:$0x3FFE];
	_ =	sdelay $0x1  }
0x8a: {  	s1 =	srdreg.scid  }
0x8b: {  	s0 =	sand.u32 $0x1, s1  }
0x8c: {  	s16 =	sshll.u32 s0, $0xA;
	s2 =	sadd.s32 s3, s2  }
0x8d: {  	s2 =	sadd.s32 s2, s16  }
0x8e: {  	[smem:$0x3FBB] =	sst s2  }
0x8f: {  	_ = 	snop  }
0x90: {  	(tm) =	ssettm $0x1  }
0x91: {  	s17 =	sld [smem:$0x3FFB];
	_ =	sdelay $0x3  }
0x92: {  	_ =	strace s17  }
0x93: {  	s2 =	sld [smem:$0x3FFC];
	_ =	sdelay $0x3  }
0x94: {  	_ =	strace s2  }
0x95: {  	s2 =	sld [smem:$0x3FFD];
	_ =	sdelay $0x3  }
0x96: {  	_ =	strace s2  }
0x97: {  	_ =	strace $0x8FFFFFFF  }
0x98: {  	s18 =	sld [smem:$0x3FDB];
	_ =	sdelay $0x1  }
0x99: {  	s19 =	simm.s32 $_scs_section_size  }
0x9a: {  	s4 =	simm.s32 $_size__tile_overlayer_lowered;
	s5 =	simm.s32 $_tile_overlayer_lowered  }
0x9b: {  	s22 =	simm.s32 $0x1BFF;
	s21 =	sshll.u32 s5, $0x1;
	s2 =	sadd.s32 s19, s18  }
0x9c: {  	s6 =	simm.s32 $0x0;
	s20 =	sshll.u32 s4, $0x1;
	s4 =	sadd.s32 s21, s2  }
0x9d: {  	[timem:s6], [sflag:s22] =	dma.local [hbm:s4], s20  }
0x9e: {  	_ =	swait.ge [sflag:s22], s20  }
0x9f: {  	s3 =	ssub.s32 $0x0, s20;
	[sflag:s22] =	ssyncset.done $0x0  }
0xa0: {  	[sflag:s22] =	ssyncadd.s32 s3;
	_ =	sdelay $0x1  }
0xa1: {  	s23 =	simm.s32 $0x1B8B  }
0xa2: {  	_ =	swait.ge [sflag:s23], $0x1  }
0xa3: {  	[sflag:s23] =	ssyncset.done $0x0  }
0xa4: {  	s25 =	simm.s32 $0x1B8E;
	s24 =	sld [smem:$0x3FFE];
	[sflag:s23] =	ssyncadd.s32 $0xFFFFFFFF  }
0xa5: {  	s26 =	simm.s32 $execute0_lowered;
	[smem:$0x3FD2] =	sst s25  }
0xa6: {  	s4 =	sshll.u32 s26, $0x1;
	_ =	strace $0x8000004C;
	[dreg:$0x1] =	wrdreg $0xFFFFFFFF  }
0xa7: {  	s28 =	simm.s32 $_size_execute0_lowered;
	s2 =	sadd.s32 s2, s4;
	[dreg:$0x0] =	wrdreg $0x0  }
0xa8: {  	s4 =	sshll.u32 s28, $0x1;
	[dreg:$0x2] =	wrdreg s2  }
0xa9: {  	[dreg:$0x3] =	wrdreg s4  }
0xaa: {  	[dreg:$0x4] =	wrdreg $0xC0  }
0xab: {  	_ =	task [dreg:s6], $0x5FFFF  }
0xac: {  	[dreg:$0x1] =	wrdreg $0xFFFFFFFF  }
0xad: {  	[dreg:$0x0] =	wrdreg $0x60  }
0xae: {  	[dreg:$0x2] =	wrdreg s24  }
0xaf: {  	[dreg:$0x3] =	wrdreg $0xA8000  }
0xb0: {  	[dreg:$0x4] =	wrdreg $0x9  }
0xb1: {  	_ =	task.clear_ibuf [dreg:s6], $0x5FFFF;
	_ =	strace $0x9000004C  }
0xb2: {  	s29 =	simm.s32 $0x9;
	_ =	strace $0x8000004E  }
0xb3: {  	_ =	swait.ge [sflag:s29], $0x1  }
0xb4: {  	[sflag:s29] =	ssyncadd.s32 $0xFFFFFFFF  }
0xb5: {  	_ =	strace $0x9000004E  }
0xb6: {  	_ =	sfence  }
0xb7: {  	s30 =	sld [smem:$0x0];
	_ =	sdelay $0x2  }
0xb8: {  	s31 =	sshll.u32 s1, $0xD;
	s1 =	sshrl.u32 s1, $0x2  }
0xb9: {  	s3 =	sand.u32 $0x4000, s31;
	s1 =	sadd.s32 s1, s30  }
0xba: {  	s0 =	sor.u32 s3, s0;
	s1 =	sshll.u32 s1, $0x11  }
0xbb: {  	s0 =	sor.u32 s1, s0  }
0xbc: {  	s0 =	sadd.s32 $0x8F2B, s0  }
0xbd: {  	[sflag:s0] =	ssyncadd.remote.s32 $0x1  }
0xbe: {  	_ =	sfence.sel $0xFFFF  }
0xbf: {  	[dreg:$0x0] =	wrdreg $0xFFFFFFFF;
	(pc) =	sbr.abs _section_cstart, $3  }
0xc0: {  	[dreg:$0x1] =	wrdreg $0xFFFFFFFF  }
0xc1: {  	_ =	task.clear_ibuf [dreg:s6], $0x2FFFF;
	_ =	strace $0x9FFFFFFF  }
0xc2: {  	(tm) =	ssettm $0x7FFFFFFF  }
0xc3: {  	_ =	shalt  }
tec
execute0_lowered:
.L_overlay_start_1:
0x0: {  	(tag) =	ssettag $0x1  }
0x1: {  	s4 =	rddreg [dreg:$0x0]  }
0x2: {  	s2 =	rddreg [dreg:$0x1]  }
0x3: {  	s0 =	rddreg [dreg:$0x2];
	s3 =	simm.s32 $0x0  }
0x4: {  	s1 =	stileid.u32;
	s5 =	srdreg.scid;
	s14 =	simm.s32 $0x1400  }
0x5: {  	s15 =	simm.s32 $0x80;
	s16 =	simm.s32 $0x2800;
	s17 =	simm.s32 $0x6800  }
0x6: {  	s18 =	simm.s32 $0x1;
	s19 =	simm.s32 $0x2;
	s20 =	simm.s32 $0x2700  }
0x7: {  	s21 =	simm.s32 $0x2780;
	[smem:$0x7FF] =	sst s3;
	s22 =	smul.u32 $0x2900, s1  }
0x8: {  	s5 =	sand.u32 $0x1, s5;
	s10 =	sadd.s32 $0x81E00, s4;
	s8 =	smul.u32 $0x52000, s1  }
0x9: {  	s11 =	sadd.s32 $0x1600, s4;
	s28 =	sshll.u32 s1, $0x6;
	s29 =	smul.u32 $0x2800, s1  }
0xa: {  	_ =	strace $0x8000004D;
	s6 =	smul.u32 $0x29000, s5;
	s5 =	ssub.s32 $0x2, s5  }
0xb: {  	s7 =	sshrl.u32 s5, $0x1;
	s9 =	sadd.s32 s22, s4;
	s26 =	sshrl.u32 s8, $0x2  }
0xc: {  	s30 =	sshrl.u32 s29, $0x3;
	s12 =	sadd.s32 s6, s4;
	s7 =	ssub.s32 s5, s7  }
0xd: {  	s13 =	sadd.s32 s26, s2;
	s4 =	sadd.s32 $0x6600, s9;
	s5 =	sor.u32 $0x1C03, s28  }
0xe: {  	s8 =	sadd.s32 s10, s30;
	s31 =	sadd.s32 $0x280, s30;
	s9 =	sadd.s32 s11, s30  }
0xf: {  	s6 =	sadd.s32 $0x2F600, s12;
	s23 =	sadd.s32 $0x86E00, s12;
	s7 =	smax.u32 s7, $0x1  }
0x10: {  	s10 =	sadd.s32 s10, s31;
	s11 =	sadd.s32 s11, s31;
	s12 =	sshrl.u32 s13, $0x3  }
0x11: {  	s13 =	simm.s32 $0x3;
	s22 =	sadd.s32 s22, s23;
	s23 =	simm.s32 $0x0  }
.LBB2_1:
0x12: {  	[spmem:s12], [sflag:s5] =	dma.local [hbm:s4], $0x2900  }
0x13: {  	_ =	swait.ge [sflag:s13], $0x2900  }
0x14: {  	[sflag:s13] =	ssyncset.done $0x0  }
0x15: {  	[sflag:s13] =	ssyncadd.s32 $0xFFFFD700  }
0x16: {  	[bflag:$0x0] =	sbarrier.arrive $0xFFFF  }
0x17: {  	[tilespmem:s3], [sflag:$0x3] =	stream.linear.gather [hbm4b:s8+s3], $0x1400, $0x38;
	[tilespmem:$0x1F000] =	vst v63  }
0x18: {  	_ =	swait.ge [sflag:s13], $0x1400  }
0x19: {  	[sflag:s13] =	ssyncset.done $0x0  }
0x1a: {  	[sflag:s13] =	ssyncadd.s32 $0xFFFFEC00  }
0x1b: {  	[tilespmem:s14], [sflag:$0x3] =	stream.linear.gather [hbm4b:s9+s3], $0x1400, $0x38;
	[tilespmem:$0x1F000] =	vst v63  }
0x1c: {  	_ =	swait.ge [sflag:s13], $0x1400  }
0x1d: {  	[sflag:s13] =	ssyncset.done $0x0  }
0x1e: {  	[sflag:s13] =	ssyncadd.s32 $0xFFFFEC00  }
0x1f: {  	[tilespmem:s16], [sflag:$0x1] =	stream.indirect.gather [hbm4b:s6+s15], $0x80, s3, s15, $0xb8;
	[tilespmem:$0x1F000] =	vst v63  }
0x20: {  	_ = 	snop  }
0x21: {  	[tilespmem:s17], [sflag:$0x2] =	stream.indirect.gather [hbm4b:s6+s15], $0x80, s15, s15, $0xb8;
	[tilespmem:$0x1F000] =	vst v63  }
0x22: {  	_ =	swait.ge [sflag:s18], $0x4000  }
0x23: {  	[sflag:s18] =	ssyncset.done $0x0  }
0x24: {  	s24 =	simm.s32 $0x1400;
	[sflag:s18] =	ssyncadd.s32 $0xFFFFC000  }
0x25: {  	[spmem:s2] =	stream.indirect.scatter.add.f32 [tilespmem:s16], [sflag:$0x3], $0x80, s24, s15, $0xb8;
	[tilespmem:$0x1F000] =	vst v63  }
0x26: {  	_ =	swait.ge [sflag:s13], $0x4000  }
0x27: {  	[sflag:s13] =	ssyncset.done $0x0  }
0x28: {  	s30 =	simm.s32 $0x100;
	[sflag:s13] =	ssyncadd.s32 $0xFFFFC000  }
0x29: {  	[tilespmem:s16], [sflag:$0x1] =	stream.indirect.gather [hbm4b:s6+s15], $0x80, s30, s15, $0xb8;
	[tilespmem:$0x1F000] =	vst v63  }
0x2a: {  	_ =	swait.ge [sflag:s19], $0x4000  }
0x2b: {  	[sflag:s19] =	ssyncset.done $0x0  }
0x2c: {  	s31 =	simm.s32 $0x1480;
	[sflag:s19] =	ssyncadd.s32 $0xFFFFC000  }
0x2d: {  	[spmem:s2] =	stream.indirect.scatter.add.f32 [tilespmem:s17], [sflag:$0x3], $0x80, s31, s15, $0xb8;
	[tilespmem:$0x1F000] =	vst v63  }
0x2e: {  	_ =	swait.ge [sflag:s13], $0x4000  }
0x2f: {  	[sflag:s13] =	ssyncset.done $0x0  }
0x30: {  	s25 =	simm.s32 $0x180;
	s24 =	simm.s32 $0x400;
	[sflag:s13] =	ssyncadd.s32 $0xFFFFC000  }
.LBB2_2:
0x31: {  	[tilespmem:s17], [sflag:$0x2] =	stream.indirect.gather [hbm4b:s6+s15], $0x80, s25, s15, $0xb8;
	[tilespmem:$0x1F000] =	vst v63  }
0x32: {  	s25 =	smov.u32 s24  }
0x33: {  	p0 =	sne.s32 s24, $0x4800;
	s24 =	sadd.s32 $0x400, s24;
	_ =	swait.ge [sflag:s18], $0x4000  }
0x34: {  	s25 =	sshra.s32 s25, $0x2;
	[sflag:s18] =	ssyncset.done $0x0  }
0x35: {  	s26 =	sadd.s32 $0x1400, s25;
	[sflag:s18] =	ssyncadd.s32 $0xFFFFC000  }
0x36: {  	[spmem:s2] =	stream.indirect.scatter.add.f32 [tilespmem:s16], [sflag:$0x3], $0x80, s26, s15, $0xb8;
	[tilespmem:$0x1F000] =	vst v63  }
0x37: {  	_ =	swait.ge [sflag:s13], $0x4000  }
0x38: {  	[sflag:s13] =	ssyncset.done $0x0  }
0x39: {  	s26 =	sadd.s32 $0x100, s25;
	[sflag:s13] =	ssyncadd.s32 $0xFFFFC000  }
0x3a: {  	[tilespmem:s16], [sflag:$0x1] =	stream.indirect.gather [hbm4b:s6+s15], $0x80, s26, s15, $0xb8;
	[tilespmem:$0x1F000] =	vst v63  }
0x3b: {  	_ =	swait.ge [sflag:s19], $0x4000  }
0x3c: {  	[sflag:s19] =	ssyncset.done $0x0  }
.Ltmp0:
0x3d: {  	s26 =	sadd.s32 $0x1480, s25;
	[sflag:s19] =	ssyncadd.s32 $0xFFFFC000;
	(pc) =	sbr.rel @p0 .LBB2_2-.Ltmp0, $4  }
0x3e: {  	[spmem:s2] =	stream.indirect.scatter.add.f32 [tilespmem:s17], [sflag:$0x3], $0x80, s26, s15, $0xb8;
	[tilespmem:$0x1F000] =	vst v63  }
0x3f: {  	_ =	swait.ge [sflag:s13], $0x4000  }
0x40: {  	[sflag:s13] =	ssyncset.done $0x0  }
0x41: {  	s25 =	sadd.s32 $0x180, s25;
	[sflag:s13] =	ssyncadd.s32 $0xFFFFC000  }
0x42: {  	[tilespmem:s17], [sflag:$0x2] =	stream.indirect.gather [hbm4b:s6+s15], $0x80, s25, s15, $0xb8;
	[tilespmem:$0x1F000] =	vst v63  }
0x43: {  	_ =	swait.ge [sflag:s18], $0x4000  }
0x44: {  	[sflag:s18] =	ssyncset.done $0x0  }
0x45: {  	[sflag:s18] =	ssyncadd.s32 $0xFFFFC000  }
0x46: {  	[spmem:s2] =	stream.indirect.scatter.add.f32 [tilespmem:s16], [sflag:$0x3], $0x80, s20, s15, $0xb8;
	[tilespmem:$0x1F000] =	vst v63  }
0x47: {  	_ =	swait.ge [sflag:s13], $0x4000  }
0x48: {  	[sflag:s13] =	ssyncset.done $0x0  }
0x49: {  	[sflag:s13] =	ssyncadd.s32 $0xFFFFC000  }
0x4a: {  	_ =	swait.ge [sflag:s19], $0x4000  }
0x4b: {  	[sflag:s19] =	ssyncset.done $0x0  }
0x4c: {  	[sflag:s19] =	ssyncadd.s32 $0xFFFFC000  }
0x4d: {  	[spmem:s2] =	stream.indirect.scatter.add.f32 [tilespmem:s17], [sflag:$0x3], $0x80, s21, s15, $0xb8;
	[tilespmem:$0x1F000] =	vst v63  }
0x4e: {  	_ =	swait.ge [sflag:s13], $0x4000  }
0x4f: {  	[sflag:s13] =	ssyncset.done $0x0  }
0x50: {  	s24 =	simm.s32 $0x0;
	[sflag:s13] =	ssyncadd.s32 $0xFFFFC000  }
0x51: {  	[tilespmem:s24], [sflag:$0x3] =	stream.linear.gather [hbm4b:s10+s24], $0x1400, $0x38;
	[tilespmem:$0x1F000] =	vst v63  }
0x52: {  	_ =	swait.ge [sflag:s13], $0x1400  }
0x53: {  	[sflag:s13] =	ssyncset.done $0x0  }
0x54: {  	[sflag:s13] =	ssyncadd.s32 $0xFFFFEC00  }
0x55: {  	[tilespmem:s14], [sflag:$0x3] =	stream.linear.gather [hbm4b:s11+s24], $0x1400, $0x38;
	[tilespmem:$0x1F000] =	vst v63  }
0x56: {  	_ =	swait.ge [sflag:s13], $0x1400  }
0x57: {  	[sflag:s13] =	ssyncset.done $0x0  }
0x58: {  	[sflag:s13] =	ssyncadd.s32 $0xFFFFEC00  }
0x59: {  	[tilespmem:s16], [sflag:$0x1] =	stream.indirect.gather [hbm4b:s6+s15], $0x80, s24, s15, $0xb8;
	[tilespmem:$0x1F000] =	vst v63  }
0x5a: {  	_ = 	snop  }
0x5b: {  	[tilespmem:s17], [sflag:$0x2] =	stream.indirect.gather [hbm4b:s6+s15], $0x80, s15, s15, $0xb8;
	[tilespmem:$0x1F000] =	vst v63  }
0x5c: {  	_ =	swait.ge [sflag:s18], $0x4000  }
0x5d: {  	[sflag:s18] =	ssyncset.done $0x0  }
0x5e: {  	s29 =	simm.s32 $0x1400;
	[sflag:s18] =	ssyncadd.s32 $0xFFFFC000  }
0x5f: {  	[spmem:s2] =	stream.indirect.scatter.add.f32 [tilespmem:s16], [sflag:$0x3], $0x80, s29, s15, $0xb8;
	[tilespmem:$0x1F000] =	vst v63  }
0x60: {  	_ =	swait.ge [sflag:s13], $0x4000  }
0x61: {  	[sflag:s13] =	ssyncset.done $0x0  }
0x62: {  	s30 =	simm.s32 $0x100;
	[sflag:s13] =	ssyncadd.s32 $0xFFFFC000  }
0x63: {  	[tilespmem:s16], [sflag:$0x1] =	stream.indirect.gather [hbm4b:s6+s15], $0x80, s30, s15, $0xb8;
	[tilespmem:$0x1F000] =	vst v63  }
0x64: {  	_ =	swait.ge [sflag:s19], $0x4000  }
0x65: {  	[sflag:s19] =	ssyncset.done $0x0  }
0x66: {  	s31 =	simm.s32 $0x1480;
	[sflag:s19] =	ssyncadd.s32 $0xFFFFC000  }
0x67: {  	[spmem:s2] =	stream.indirect.scatter.add.f32 [tilespmem:s17], [sflag:$0x3], $0x80, s31, s15, $0xb8;
	[tilespmem:$0x1F000] =	vst v63  }
0x68: {  	_ =	swait.ge [sflag:s13], $0x4000  }
0x69: {  	[sflag:s13] =	ssyncset.done $0x0  }
0x6a: {  	s25 =	simm.s32 $0x180;
	s24 =	simm.s32 $0x400;
	[sflag:s13] =	ssyncadd.s32 $0xFFFFC000  }
.LBB2_4:
0x6b: {  	[tilespmem:s17], [sflag:$0x2] =	stream.indirect.gather [hbm4b:s6+s15], $0x80, s25, s15, $0xb8;
	[tilespmem:$0x1F000] =	vst v63  }
0x6c: {  	s25 =	smov.u32 s24  }
0x6d: {  	p0 =	sne.s32 s24, $0x4800;
	s24 =	sadd.s32 $0x400, s24;
	_ =	swait.ge [sflag:s18], $0x4000  }
0x6e: {  	s25 =	sshra.s32 s25, $0x2;
	[sflag:s18] =	ssyncset.done $0x0  }
0x6f: {  	s26 =	sadd.s32 $0x1400, s25;
	[sflag:s18] =	ssyncadd.s32 $0xFFFFC000  }
0x70: {  	[spmem:s2] =	stream.indirect.scatter.add.f32 [tilespmem:s16], [sflag:$0x3], $0x80, s26, s15, $0xb8;
	[tilespmem:$0x1F000] =	vst v63  }
0x71: {  	_ =	swait.ge [sflag:s13], $0x4000  }
0x72: {  	[sflag:s13] =	ssyncset.done $0x0  }
0x73: {  	s26 =	sadd.s32 $0x100, s25;
	[sflag:s13] =	ssyncadd.s32 $0xFFFFC000  }
0x74: {  	[tilespmem:s16], [sflag:$0x1] =	stream.indirect.gather [hbm4b:s6+s15], $0x80, s26, s15, $0xb8;
	[tilespmem:$0x1F000] =	vst v63  }
0x75: {  	_ =	swait.ge [sflag:s19], $0x4000  }
0x76: {  	[sflag:s19] =	ssyncset.done $0x0  }
.Ltmp1:
0x77: {  	s26 =	sadd.s32 $0x1480, s25;
	[sflag:s19] =	ssyncadd.s32 $0xFFFFC000;
	(pc) =	sbr.rel @p0 .LBB2_4-.Ltmp1, $4  }
0x78: {  	[spmem:s2] =	stream.indirect.scatter.add.f32 [tilespmem:s17], [sflag:$0x3], $0x80, s26, s15, $0xb8;
	[tilespmem:$0x1F000] =	vst v63  }
0x79: {  	_ =	swait.ge [sflag:s13], $0x4000  }
0x7a: {  	[sflag:s13] =	ssyncset.done $0x0  }
0x7b: {  	s25 =	sadd.s32 $0x180, s25;
	[sflag:s13] =	ssyncadd.s32 $0xFFFFC000  }
0x7c: {  	[tilespmem:s17], [sflag:$0x2] =	stream.indirect.gather [hbm4b:s6+s15], $0x80, s25, s15, $0xb8;
	[tilespmem:$0x1F000] =	vst v63  }
0x7d: {  	_ =	swait.ge [sflag:s18], $0x4000  }
0x7e: {  	[sflag:s18] =	ssyncset.done $0x0  }
0x7f: {  	[sflag:s18] =	ssyncadd.s32 $0xFFFFC000  }
0x80: {  	[spmem:s2] =	stream.indirect.scatter.add.f32 [tilespmem:s16], [sflag:$0x3], $0x80, s20, s15, $0xb8;
	[tilespmem:$0x1F000] =	vst v63  }
0x81: {  	_ =	swait.ge [sflag:s13], $0x4000  }
0x82: {  	[sflag:s13] =	ssyncset.done $0x0  }
0x83: {  	[sflag:s13] =	ssyncadd.s32 $0xFFFFC000  }
0x84: {  	_ =	swait.ge [sflag:s19], $0x4000  }
0x85: {  	[sflag:s19] =	ssyncset.done $0x0  }
0x86: {  	[sflag:s19] =	ssyncadd.s32 $0xFFFFC000  }
0x87: {  	[spmem:s2] =	stream.indirect.scatter.add.f32 [tilespmem:s17], [sflag:$0x3], $0x80, s21, s15, $0xb8;
	[tilespmem:$0x1F000] =	vst v63  }
0x88: {  	_ =	swait.ge [sflag:s13], $0x4000  }
0x89: {  	s23 =	sadd.s32 $0x1, s23;
	[sflag:s13] =	ssyncset.done $0x0  }
0x8a: {  	p0 =	sne.s32 s23, s7;
	[sflag:s13] =	ssyncadd.s32 $0xFFFFC000  }
.Ltmp2:
0x8b: {  	[bflag:$0x0] =	sbarrier.arrive $0xFFFF;
	(pc) =	sbr.rel @p0 .LBB2_1-.Ltmp2, $4  }
0x8c: {  	[hbm:s22], [sflag:s5] =	dma.local [spmem:s12], $0x2900  }
0x8d: {  	_ =	swait.ge [sflag:s13], $0x2900  }
0x8e: {  	[sflag:s13] =	ssyncset.done $0x0  }
0x8f: {  	[sflag:s13] =	ssyncadd.s32 $0xFFFFD700  }
0x90: {  	_ =	sfence.sel $0x180000  }
0x91: {  	[bflag:$0x0] =	sbarrier.arrive $0xFFFF  }
0x92: {  	p0 =	sne.s32 s1, $0x0;
	_ =	strace $0x9000004D  }
0x93: {  	s0 =	sadd.s32 @!p0 $0x100000, s0;
	[bflag:$0x2] =	sbarrier.arrive $0xFFFF  }
0x94: {  	[sflag:s0] =	ssyncadd.tile.s32 @!p0 $0x1;
	_ =	shalt  }
.Lfunc_end2:
_tile_overlayer_lowered:
.L_overlay_start_2:
0x95: {  	(tag) =	ssettag $0x2  }
0x96: {  	s0 =	rddreg [dreg:$0x0];
	s2 =	stileid.u32  }
0x97: {  	s1 =	rddreg [dreg:$0x1];
	p0 =	sne.s32 s2, $0x0  }
0x98: {  	s3 =	rddreg [dreg:$0x2];
	[bflag:$0x3] =	sbarrier.arrive $0xFFFF;
	s2 =	simm.s32 @!p0 $0x1C03  }
0x99: {  	[timem:s3], [sflag:s2] =	dma.local @!p0 [hbm:s0], s1  }
0x9a: {  	s0 =	simm.s32 @!p0 $0x3  }
0x9b: {  	_ =	swait.ge @!p0 [sflag:s0], s1  }
0x9c: {  	s1 =	ssub.s32 @!p0 $0x0, s1;
	[sflag:s0] =	ssyncset.done @!p0 $0x0  }
0x9d: {  	[sflag:s0] =	ssyncadd.s32 @!p0 s1  }
0x9e: {  	[bflag:$0x3] =	sbarrier.arrive $0xFFFF  }
0x9f: {  	_ =	shalt  }

// kernel: kernel.19.cloned.1.call-start
scs
__scs_entry_jumppad:
0x0: {  	(pc) =	sbr.rel $0x88, $3  }
0x1: {  	(tag) =	ssettag $0x0;
	lr =	simm.s32 $0x1  }
0x2: {  	[smem:$0x3F94] =	sst lr;
	_ =	strace $0xD0000000  }
0x3: {  	_ = 	snop  }
0x4: {  	_ = 	snop  }
0x5: {  	_ = 	snop  }
0x6: {  	_ = 	snop  }
0x7: {  	_ = 	snop  }
__scs_overlays_trampoline_lowered:
0x8: {  	[smem:$0x3FA3] =	sst s0  }
0x9: {  	[smem:$0x3FA4] =	sst s1  }
0xa: {  	[smem:$0x3FA5] =	sst s2  }
0xb: {  	[smem:$0x3FA6] =	sst s3  }
0xc: {  	[smem:$0x3FA7] =	sst s4  }
0xd: {  	[smem:$0x3FA8] =	sst s5  }
0xe: {  	[smem:$0x3FA9] =	sst s6  }
0xf: {  	[smem:$0x3FAA] =	sst s7  }
0x10: {  	[smem:$0x3FAB] =	sst s8  }
0x11: {  	[smem:$0x3FAC] =	sst s9;
	s0 =	simm.s32 @!p0 $0x0  }
0x12: {  	s1 =	sld [smem:$0x3F92];
	s0 =	simm.s32 @p0 $0x1  }
0x13: {  	[smem:$0x3FAD] =	sst s0;
	s0 =	simm.s32 @!p1 $0x0  }
0x14: {  	s2 =	sld [smem:$0x3F91];
	s0 =	simm.s32 @p1 $0x1  }
0x15: {  	[smem:$0x3FAE] =	sst s0;
	s0 =	simm.s32 @!p2 $0x0  }
0x16: {  	s3 =	sld [smem:$0x3FDB];
	s0 =	simm.s32 @p2 $0x1  }
0x17: {  	s4 =	simm.s32 $0x1BF5;
	[smem:$0x3FB0] =	sst s0  }
0x18: {  	s0 =	sld [smem:$0x3F93];
	_ =	swait.ge [sflag:s4], $0x0  }
0x19: {  	s7 =	sld [smem:$0x3F94]  }
0x1a: {  	s8 =	sadd.s32 $0xFFFFE003, lr  }
0x1b: {  	s9 =	sadd.s32 $0xFFFFFEF7, lr;
	s5 =	simm.s32 $0xFFFFFFFF;
	p2 =	slt.u32 s8, $0xFFFFF086  }
0x1c: {  	p1 =	slt.u32 s9, $0xF7A;
	s5 =	simm.s32 @!p2 $0x0  }
0x1d: {  	s5 =	simm.s32 @p1 $0x1;
	p0 =	seq.s32 s7, s2  }
0x1e: {  	s7 =	smul.u32 @!p0 $0xF7A, s2;
	p2 =	seq.s32 @!p0 s5, $0x0  }
0x1f: {  	s9 =	smul.u32 $0xF7A, s1;
	s8 =	simm.s32 @!p0 $0x1BF5;
	p2 =	por !p2, p0  }
0x20: {  	[sflag:s8] =	ssyncset.s32 @!p0 $0xFFFFF086;
	s6 =	sadd.s32 @!p0 s3, s7;
	s7 =	simm.s32 @!p0 $0x108  }
0x21: {  	s3 =	sadd.s32 s3, s9;
	s6 =	sadd.s32 @!p0 $0x88, s6;
	s7 =	simm.s32 @p2 $0x1082  }
0x22: {  	[simem:s7], [sflag:s8] =	dma.local @!p0 [hbm:s6], $0xF7A  }
0x23: {  	s9 =	sor.u32 $0xD0000000, s2;
	s6 =	simm.s32 $0x108;
	_ =	swait.ge @!p0 [sflag:s8], $0x0  }
0x24: {  	s3 =	sadd.s32 $0x88, s3;
	s6 =	simm.s32 @!p1 $0x1082;
	[sflag:s4] =	ssyncset.s32 $0xFFFFF086  }
0x25: {  	[simem:s6], [sflag:s4] =	dma.local [hbm:s3], $0xF7A  }
0x26: {  	[smem:$0x3F94] =	sst s1;
	(tag) =	ssettag s2;
	_ =	strace s9  }
0x27: {  	s1 =	sld [smem:$0x3FA4]  }
0x28: {  	s2 =	sld [smem:$0x3FA5]  }
0x29: {  	s4 =	sld [smem:$0x3FA7]  }
0x2a: {  	p0 =	seq.s32 s5, $0x0;
	s5 =	sld [smem:$0x3FA8]  }
0x2b: {  	s6 =	sld [smem:$0x3FA9]  }
0x2c: {  	s7 =	sld [smem:$0x3FAA]  }
0x2d: {  	s3 =	simm.s32 $0x108;
	s8 =	sld [smem:$0x3FAB]  }
0x2e: {  	s3 =	simm.s32 @!p0 $0x1082;
	s9 =	sld [smem:$0x3FAC]  }
0x2f: {  	lr =	sadd.s32 s0, s3;
	s0 =	sld [smem:$0x3FA3]  }
0x30: {  	s3 =	sld [smem:$0x3FA6]  }
0x31: {  	[smem:$0x3FAF] =	sst s10  }
0x32: {  	s10 =	sld [smem:$0x3FAD];
	_ =	sdelay $0x3  }
0x33: {  	p0 =	seq.s32 s10, $0x1;
	s10 =	sld [smem:$0x3FAF];
	_ =	sdelay $0x3  }
0x34: {  	[smem:$0x3FAF] =	sst s10  }
0x35: {  	s10 =	sld [smem:$0x3FAE];
	_ =	sdelay $0x3  }
0x36: {  	p1 =	seq.s32 s10, $0x1;
	s10 =	sld [smem:$0x3FAF];
	_ =	sdelay $0x3  }
0x37: {  	[smem:$0x3FAF] =	sst s10  }
0x38: {  	s10 =	sld [smem:$0x3FB0]  }
0x39: {  	_ = 	snop;
	(pc) =	sbr.ind lr, $3  }
0x3a: {  	_ = 	snop  }
0x3b: {  	_ = 	snop  }
0x3c: {  	p2 =	seq.s32 s10, $0x1;
	s10 =	sld [smem:$0x3FAF]  }
0x3d: {  	_ =	shalt  }
0x3e: {  	_ =	shalt  }
0x3f: {  	_ =	shalt  }
0x40: {  	_ =	shalt  }
0x41: {  	_ =	shalt  }
0x42: {  	_ =	shalt  }
0x43: {  	_ =	shalt  }
0x44: {  	_ =	shalt  }
0x45: {  	_ =	shalt  }
0x46: {  	_ =	shalt  }
0x47: {  	_ =	shalt  }
0x48: {  	_ =	shalt  }
0x49: {  	_ =	shalt  }
0x4a: {  	_ =	shalt  }
0x4b: {  	_ =	shalt  }
0x4c: {  	_ =	shalt  }
0x4d: {  	_ =	shalt  }
0x4e: {  	_ =	shalt  }
0x4f: {  	_ =	shalt  }
0x50: {  	_ =	shalt  }
0x51: {  	_ =	shalt  }
0x52: {  	_ =	shalt  }
0x53: {  	_ =	shalt  }
0x54: {  	_ =	shalt  }
0x55: {  	_ =	shalt  }
0x56: {  	_ =	shalt  }
0x57: {  	_ =	shalt  }
0x58: {  	_ =	shalt  }
0x59: {  	_ =	shalt  }
0x5a: {  	_ =	shalt  }
0x5b: {  	_ =	shalt  }
0x5c: {  	_ =	shalt  }
0x5d: {  	_ =	shalt  }
0x5e: {  	_ =	shalt  }
0x5f: {  	_ =	shalt  }
0x60: {  	_ =	shalt  }
0x61: {  	_ =	shalt  }
0x62: {  	_ =	shalt  }
0x63: {  	_ =	shalt  }
0x64: {  	_ =	shalt  }
0x65: {  	_ =	shalt  }
0x66: {  	_ =	shalt  }
0x67: {  	_ =	shalt  }
0x68: {  	_ =	shalt  }
0x69: {  	_ =	shalt  }
0x6a: {  	_ =	shalt  }
0x6b: {  	_ =	shalt  }
0x6c: {  	_ =	shalt  }
0x6d: {  	_ =	shalt  }
0x6e: {  	_ =	shalt  }
0x6f: {  	_ =	shalt  }
0x70: {  	_ =	shalt  }
0x71: {  	_ =	shalt  }
0x72: {  	_ =	shalt  }
0x73: {  	_ =	shalt  }
0x74: {  	_ =	shalt  }
0x75: {  	_ =	shalt  }
0x76: {  	_ =	shalt  }
0x77: {  	_ =	shalt  }
0x78: {  	_ =	shalt  }
0x79: {  	_ =	shalt  }
0x7a: {  	_ =	shalt  }
0x7b: {  	_ =	shalt  }
0x7c: {  	_ =	shalt  }
0x7d: {  	_ =	shalt  }
0x7e: {  	_ =	shalt  }
0x7f: {  	_ =	shalt  }
0x80: {  	_ =	shalt  }
0x81: {  	_ =	shalt  }
0x82: {  	_ =	shalt  }
0x83: {  	_ =	shalt  }
0x84: {  	_ =	shalt  }
0x85: {  	_ =	shalt  }
0x86: {  	_ =	shalt  }
0x87: {  	_ =	shalt  }
.Lfunc_end0:
.L_simem_size_0:
called_computation.3_lowered:
.L_overlay_start_0:
0x88: {  	s2 =	sld [smem:$0x3FD9]  }
0x89: {  	s3 =	sld [smem:$0x3FFE];
	_ =	sdelay $0x1  }
0x8a: {  	s1 =	srdreg.scid  }
0x8b: {  	s0 =	sand.u32 $0x1, s1  }
0x8c: {  	s16 =	sshll.u32 s0, $0xA;
	s2 =	sadd.s32 s3, s2  }
0x8d: {  	s2 =	sadd.s32 s2, s16  }
0x8e: {  	[smem:$0x3FBB] =	sst s2  }
0x8f: {  	_ = 	snop  }
0x90: {  	(tm) =	ssettm $0x1  }
0x91: {  	s17 =	sld [smem:$0x3FFB];
	_ =	sdelay $0x3  }
0x92: {  	_ =	strace s17  }
0x93: {  	s2 =	sld [smem:$0x3FFC];
	_ =	sdelay $0x3  }
0x94: {  	_ =	strace s2  }
0x95: {  	s2 =	sld [smem:$0x3FFD];
	_ =	sdelay $0x3  }
0x96: {  	_ =	strace s2  }
0x97: {  	_ =	strace $0x8FFFFFFF  }
0x98: {  	s18 =	sld [smem:$0x3FDB];
	_ =	sdelay $0x1  }
0x99: {  	s19 =	simm.s32 $_scs_section_size  }
0x9a: {  	s4 =	simm.s32 $_size__tile_overlayer_lowered;
	s5 =	simm.s32 $_tile_overlayer_lowered  }
0x9b: {  	s22 =	simm.s32 $0x1BFF;
	s21 =	sshll.u32 s5, $0x1;
	s2 =	sadd.s32 s19, s18  }
0x9c: {  	s6 =	simm.s32 $0x0;
	s20 =	sshll.u32 s4, $0x1;
	s4 =	sadd.s32 s21, s2  }
0x9d: {  	[timem:s6], [sflag:s22] =	dma.local [hbm:s4], s20  }
0x9e: {  	_ =	swait.ge [sflag:s22], s20  }
0x9f: {  	s3 =	ssub.s32 $0x0, s20;
	[sflag:s22] =	ssyncset.done $0x0  }
0xa0: {  	[sflag:s22] =	ssyncadd.s32 s3;
	_ =	sdelay $0x1  }
0xa1: {  	s23 =	simm.s32 $0x1B8B  }
0xa2: {  	_ =	swait.ge [sflag:s23], $0x1  }
0xa3: {  	[sflag:s23] =	ssyncset.done $0x0  }
0xa4: {  	s25 =	simm.s32 $0x1B8E;
	s24 =	sld [smem:$0x3FFE];
	[sflag:s23] =	ssyncadd.s32 $0xFFFFFFFF  }
0xa5: {  	s26 =	simm.s32 $execute0_lowered;
	[smem:$0x3FD2] =	sst s25  }
0xa6: {  	s4 =	sshll.u32 s26, $0x1;
	_ =	strace $0x8000004F;
	[dreg:$0x1] =	wrdreg $0xFFFFFFFF  }
0xa7: {  	s28 =	simm.s32 $_size_execute0_lowered;
	s2 =	sadd.s32 s2, s4;
	[dreg:$0x0] =	wrdreg $0x0  }
0xa8: {  	s4 =	sshll.u32 s28, $0x1;
	[dreg:$0x2] =	wrdreg s2  }
0xa9: {  	[dreg:$0x3] =	wrdreg s4  }
0xaa: {  	[dreg:$0x4] =	wrdreg $0xC0  }
0xab: {  	_ =	task [dreg:s6], $0x5FFFF  }
0xac: {  	[dreg:$0x1] =	wrdreg $0xFFFFFFFF  }
0xad: {  	[dreg:$0x0] =	wrdreg $0x60  }
0xae: {  	[dreg:$0x2] =	wrdreg s24  }
0xaf: {  	[dreg:$0x3] =	wrdreg $0xA8000  }
0xb0: {  	[dreg:$0x4] =	wrdreg $0x9  }
0xb1: {  	_ =	task.clear_ibuf [dreg:s6], $0x5FFFF;
	_ =	strace $0x9000004F  }
0xb2: {  	s29 =	simm.s32 $0x9;
	_ =	strace $0x80000051  }
0xb3: {  	_ =	swait.ge [sflag:s29], $0x1  }
0xb4: {  	[sflag:s29] =	ssyncadd.s32 $0xFFFFFFFF  }
0xb5: {  	_ =	strace $0x90000051  }
0xb6: {  	_ =	sfence  }
0xb7: {  	s30 =	sld [smem:$0x0];
	_ =	sdelay $0x2  }
0xb8: {  	s31 =	sshll.u32 s1, $0xD;
	s1 =	sshrl.u32 s1, $0x2  }
0xb9: {  	s3 =	sand.u32 $0x4000, s31;
	s1 =	sadd.s32 s1, s30  }
0xba: {  	s0 =	sor.u32 s3, s0;
	s1 =	sshll.u32 s1, $0x11  }
0xbb: {  	s0 =	sor.u32 s1, s0  }
0xbc: {  	s0 =	sadd.s32 $0x8F2B, s0  }
0xbd: {  	[sflag:s0] =	ssyncadd.remote.s32 $0x1  }
0xbe: {  	_ =	sfence.sel $0xFFFF  }
0xbf: {  	[dreg:$0x0] =	wrdreg $0xFFFFFFFF;
	(pc) =	sbr.abs _section_cstart, $3  }
0xc0: {  	[dreg:$0x1] =	wrdreg $0xFFFFFFFF  }
0xc1: {  	_ =	task.clear_ibuf [dreg:s6], $0x2FFFF;
	_ =	strace $0x9FFFFFFF  }
0xc2: {  	(tm) =	ssettm $0x7FFFFFFF  }
0xc3: {  	_ =	shalt  }
tec
execute0_lowered:
.L_overlay_start_1:
0x0: {  	(tag) =	ssettag $0x1  }
0x1: {  	s4 =	rddreg [dreg:$0x0]  }
0x2: {  	s2 =	rddreg [dreg:$0x1]  }
0x3: {  	s0 =	rddreg [dreg:$0x2];
	s3 =	simm.s32 $0x0  }
0x4: {  	s1 =	stileid.u32;
	s5 =	srdreg.scid;
	s14 =	simm.s32 $0x1400  }
0x5: {  	s15 =	simm.s32 $0x80;
	s16 =	simm.s32 $0x2800;
	s17 =	simm.s32 $0x6800  }
0x6: {  	s18 =	simm.s32 $0x1;
	s19 =	simm.s32 $0x2;
	s20 =	simm.s32 $0x2700  }
0x7: {  	s21 =	simm.s32 $0x2780;
	[smem:$0x7FF] =	sst s3;
	s22 =	smul.u32 $0x2900, s1  }
0x8: {  	s5 =	sand.u32 $0x1, s5;
	s10 =	sadd.s32 $0x81E00, s4;
	s8 =	smul.u32 $0x52000, s1  }
0x9: {  	s11 =	sadd.s32 $0x1600, s4;
	s28 =	sshll.u32 s1, $0x6;
	s29 =	smul.u32 $0x2800, s1  }
0xa: {  	_ =	strace $0x80000050;
	s6 =	smul.u32 $0x29000, s5;
	s5 =	ssub.s32 $0x2, s5  }
0xb: {  	s7 =	sshrl.u32 s5, $0x1;
	s9 =	sadd.s32 s22, s4;
	s26 =	sshrl.u32 s8, $0x2  }
0xc: {  	s30 =	sshrl.u32 s29, $0x3;
	s12 =	sadd.s32 s6, s4;
	s7 =	ssub.s32 s5, s7  }
0xd: {  	s13 =	sadd.s32 s26, s2;
	s4 =	sadd.s32 $0x6600, s9;
	s5 =	sor.u32 $0x1C03, s28  }
0xe: {  	s8 =	sadd.s32 s10, s30;
	s31 =	sadd.s32 $0x280, s30;
	s9 =	sadd.s32 s11, s30  }
0xf: {  	s6 =	sadd.s32 $0x2F600, s12;
	s23 =	sadd.s32 $0x86E00, s12;
	s7 =	smax.u32 s7, $0x1  }
0x10: {  	s10 =	sadd.s32 s10, s31;
	s11 =	sadd.s32 s11, s31;
	s12 =	sshrl.u32 s13, $0x3  }
0x11: {  	s13 =	simm.s32 $0x3;
	s22 =	sadd.s32 s22, s23;
	s23 =	simm.s32 $0x0  }
.LBB2_1:
0x12: {  	[spmem:s12], [sflag:s5] =	dma.local [hbm:s4], $0x2900  }
0x13: {  	_ =	swait.ge [sflag:s13], $0x2900  }
0x14: {  	[sflag:s13] =	ssyncset.done $0x0  }
0x15: {  	[sflag:s13] =	ssyncadd.s32 $0xFFFFD700  }
0x16: {  	[bflag:$0x0] =	sbarrier.arrive $0xFFFF  }
0x17: {  	[tilespmem:s3], [sflag:$0x3] =	stream.linear.gather [hbm4b:s8+s3], $0x1400, $0x38;
	[tilespmem:$0x1F000] =	vst v63  }
0x18: {  	_ =	swait.ge [sflag:s13], $0x1400  }
0x19: {  	[sflag:s13] =	ssyncset.done $0x0  }
0x1a: {  	[sflag:s13] =	ssyncadd.s32 $0xFFFFEC00  }
0x1b: {  	[tilespmem:s14], [sflag:$0x3] =	stream.linear.gather [hbm4b:s9+s3], $0x1400, $0x38;
	[tilespmem:$0x1F000] =	vst v63  }
0x1c: {  	_ =	swait.ge [sflag:s13], $0x1400  }
0x1d: {  	[sflag:s13] =	ssyncset.done $0x0  }
0x1e: {  	[sflag:s13] =	ssyncadd.s32 $0xFFFFEC00  }
0x1f: {  	[tilespmem:s16], [sflag:$0x1] =	stream.indirect.gather [hbm4b:s6+s15], $0x80, s3, s15, $0xb8;
	[tilespmem:$0x1F000] =	vst v63  }
0x20: {  	_ = 	snop  }
0x21: {  	[tilespmem:s17], [sflag:$0x2] =	stream.indirect.gather [hbm4b:s6+s15], $0x80, s15, s15, $0xb8;
	[tilespmem:$0x1F000] =	vst v63  }
0x22: {  	_ =	swait.ge [sflag:s18], $0x4000  }
0x23: {  	[sflag:s18] =	ssyncset.done $0x0  }
0x24: {  	s24 =	simm.s32 $0x1400;
	[sflag:s18] =	ssyncadd.s32 $0xFFFFC000  }
0x25: {  	[spmem:s2] =	stream.indirect.scatter.add.f32 [tilespmem:s16], [sflag:$0x3], $0x80, s24, s15, $0xb8;
	[tilespmem:$0x1F000] =	vst v63  }
0x26: {  	_ =	swait.ge [sflag:s13], $0x4000  }
0x27: {  	[sflag:s13] =	ssyncset.done $0x0  }
0x28: {  	s30 =	simm.s32 $0x100;
	[sflag:s13] =	ssyncadd.s32 $0xFFFFC000  }
0x29: {  	[tilespmem:s16], [sflag:$0x1] =	stream.indirect.gather [hbm4b:s6+s15], $0x80, s30, s15, $0xb8;
	[tilespmem:$0x1F000] =	vst v63  }
0x2a: {  	_ =	swait.ge [sflag:s19], $0x4000  }
0x2b: {  	[sflag:s19] =	ssyncset.done $0x0  }
0x2c: {  	s31 =	simm.s32 $0x1480;
	[sflag:s19] =	ssyncadd.s32 $0xFFFFC000  }
0x2d: {  	[spmem:s2] =	stream.indirect.scatter.add.f32 [tilespmem:s17], [sflag:$0x3], $0x80, s31, s15, $0xb8;
	[tilespmem:$0x1F000] =	vst v63  }
0x2e: {  	_ =	swait.ge [sflag:s13], $0x4000  }
0x2f: {  	[sflag:s13] =	ssyncset.done $0x0  }
0x30: {  	s25 =	simm.s32 $0x180;
	s24 =	simm.s32 $0x400;
	[sflag:s13] =	ssyncadd.s32 $0xFFFFC000  }
.LBB2_2:
0x31: {  	[tilespmem:s17], [sflag:$0x2] =	stream.indirect.gather [hbm4b:s6+s15], $0x80, s25, s15, $0xb8;
	[tilespmem:$0x1F000] =	vst v63  }
0x32: {  	s25 =	smov.u32 s24  }
0x33: {  	p0 =	sne.s32 s24, $0x4800;
	s24 =	sadd.s32 $0x400, s24;
	_ =	swait.ge [sflag:s18], $0x4000  }
0x34: {  	s25 =	sshra.s32 s25, $0x2;
	[sflag:s18] =	ssyncset.done $0x0  }
0x35: {  	s26 =	sadd.s32 $0x1400, s25;
	[sflag:s18] =	ssyncadd.s32 $0xFFFFC000  }
0x36: {  	[spmem:s2] =	stream.indirect.scatter.add.f32 [tilespmem:s16], [sflag:$0x3], $0x80, s26, s15, $0xb8;
	[tilespmem:$0x1F000] =	vst v63  }
0x37: {  	_ =	swait.ge [sflag:s13], $0x4000  }
0x38: {  	[sflag:s13] =	ssyncset.done $0x0  }
0x39: {  	s26 =	sadd.s32 $0x100, s25;
	[sflag:s13] =	ssyncadd.s32 $0xFFFFC000  }
0x3a: {  	[tilespmem:s16], [sflag:$0x1] =	stream.indirect.gather [hbm4b:s6+s15], $0x80, s26, s15, $0xb8;
	[tilespmem:$0x1F000] =	vst v63  }
0x3b: {  	_ =	swait.ge [sflag:s19], $0x4000  }
0x3c: {  	[sflag:s19] =	ssyncset.done $0x0  }
.Ltmp0:
0x3d: {  	s26 =	sadd.s32 $0x1480, s25;
	[sflag:s19] =	ssyncadd.s32 $0xFFFFC000;
	(pc) =	sbr.rel @p0 .LBB2_2-.Ltmp0, $4  }
0x3e: {  	[spmem:s2] =	stream.indirect.scatter.add.f32 [tilespmem:s17], [sflag:$0x3], $0x80, s26, s15, $0xb8;
	[tilespmem:$0x1F000] =	vst v63  }
0x3f: {  	_ =	swait.ge [sflag:s13], $0x4000  }
0x40: {  	[sflag:s13] =	ssyncset.done $0x0  }
0x41: {  	s25 =	sadd.s32 $0x180, s25;
	[sflag:s13] =	ssyncadd.s32 $0xFFFFC000  }
0x42: {  	[tilespmem:s17], [sflag:$0x2] =	stream.indirect.gather [hbm4b:s6+s15], $0x80, s25, s15, $0xb8;
	[tilespmem:$0x1F000] =	vst v63  }
0x43: {  	_ =	swait.ge [sflag:s18], $0x4000  }
0x44: {  	[sflag:s18] =	ssyncset.done $0x0  }
0x45: {  	[sflag:s18] =	ssyncadd.s32 $0xFFFFC000  }
0x46: {  	[spmem:s2] =	stream.indirect.scatter.add.f32 [tilespmem:s16], [sflag:$0x3], $0x80, s20, s15, $0xb8;
	[tilespmem:$0x1F000] =	vst v63  }
0x47: {  	_ =	swait.ge [sflag:s13], $0x4000  }
0x48: {  	[sflag:s13] =	ssyncset.done $0x0  }
0x49: {  	[sflag:s13] =	ssyncadd.s32 $0xFFFFC000  }
0x4a: {  	_ =	swait.ge [sflag:s19], $0x4000  }
0x4b: {  	[sflag:s19] =	ssyncset.done $0x0  }
0x4c: {  	[sflag:s19] =	ssyncadd.s32 $0xFFFFC000  }
0x4d: {  	[spmem:s2] =	stream.indirect.scatter.add.f32 [tilespmem:s17], [sflag:$0x3], $0x80, s21, s15, $0xb8;
	[tilespmem:$0x1F000] =	vst v63  }
0x4e: {  	_ =	swait.ge [sflag:s13], $0x4000  }
0x4f: {  	[sflag:s13] =	ssyncset.done $0x0  }
0x50: {  	s24 =	simm.s32 $0x0;
	[sflag:s13] =	ssyncadd.s32 $0xFFFFC000  }
0x51: {  	[tilespmem:s24], [sflag:$0x3] =	stream.linear.gather [hbm4b:s10+s24], $0x1400, $0x38;
	[tilespmem:$0x1F000] =	vst v63  }
0x52: {  	_ =	swait.ge [sflag:s13], $0x1400  }
0x53: {  	[sflag:s13] =	ssyncset.done $0x0  }
0x54: {  	[sflag:s13] =	ssyncadd.s32 $0xFFFFEC00  }
0x55: {  	[tilespmem:s14], [sflag:$0x3] =	stream.linear.gather [hbm4b:s11+s24], $0x1400, $0x38;
	[tilespmem:$0x1F000] =	vst v63  }
0x56: {  	_ =	swait.ge [sflag:s13], $0x1400  }
0x57: {  	[sflag:s13] =	ssyncset.done $0x0  }
0x58: {  	[sflag:s13] =	ssyncadd.s32 $0xFFFFEC00  }
0x59: {  	[tilespmem:s16], [sflag:$0x1] =	stream.indirect.gather [hbm4b:s6+s15], $0x80, s24, s15, $0xb8;
	[tilespmem:$0x1F000] =	vst v63  }
0x5a: {  	_ = 	snop  }
0x5b: {  	[tilespmem:s17], [sflag:$0x2] =	stream.indirect.gather [hbm4b:s6+s15], $0x80, s15, s15, $0xb8;
	[tilespmem:$0x1F000] =	vst v63  }
0x5c: {  	_ =	swait.ge [sflag:s18], $0x4000  }
0x5d: {  	[sflag:s18] =	ssyncset.done $0x0  }
0x5e: {  	s29 =	simm.s32 $0x1400;
	[sflag:s18] =	ssyncadd.s32 $0xFFFFC000  }
0x5f: {  	[spmem:s2] =	stream.indirect.scatter.add.f32 [tilespmem:s16], [sflag:$0x3], $0x80, s29, s15, $0xb8;
	[tilespmem:$0x1F000] =	vst v63  }
0x60: {  	_ =	swait.ge [sflag:s13], $0x4000  }
0x61: {  	[sflag:s13] =	ssyncset.done $0x0  }
0x62: {  	s30 =	simm.s32 $0x100;
	[sflag:s13] =	ssyncadd.s32 $0xFFFFC000  }
0x63: {  	[tilespmem:s16], [sflag:$0x1] =	stream.indirect.gather [hbm4b:s6+s15], $0x80, s30, s15, $0xb8;
	[tilespmem:$0x1F000] =	vst v63  }
0x64: {  	_ =	swait.ge [sflag:s19], $0x4000  }
0x65: {  	[sflag:s19] =	ssyncset.done $0x0  }
0x66: {  	s31 =	simm.s32 $0x1480;
	[sflag:s19] =	ssyncadd.s32 $0xFFFFC000  }
0x67: {  	[spmem:s2] =	stream.indirect.scatter.add.f32 [tilespmem:s17], [sflag:$0x3], $0x80, s31, s15, $0xb8;
	[tilespmem:$0x1F000] =	vst v63  }
0x68: {  	_ =	swait.ge [sflag:s13], $0x4000  }
0x69: {  	[sflag:s13] =	ssyncset.done $0x0  }
0x6a: {  	s25 =	simm.s32 $0x180;
	s24 =	simm.s32 $0x400;
	[sflag:s13] =	ssyncadd.s32 $0xFFFFC000  }
.LBB2_4:
0x6b: {  	[tilespmem:s17], [sflag:$0x2] =	stream.indirect.gather [hbm4b:s6+s15], $0x80, s25, s15, $0xb8;
	[tilespmem:$0x1F000] =	vst v63  }
0x6c: {  	s25 =	smov.u32 s24  }
0x6d: {  	p0 =	sne.s32 s24, $0x4800;
	s24 =	sadd.s32 $0x400, s24;
	_ =	swait.ge [sflag:s18], $0x4000  }
0x6e: {  	s25 =	sshra.s32 s25, $0x2;
	[sflag:s18] =	ssyncset.done $0x0  }
0x6f: {  	s26 =	sadd.s32 $0x1400, s25;
	[sflag:s18] =	ssyncadd.s32 $0xFFFFC000  }
0x70: {  	[spmem:s2] =	stream.indirect.scatter.add.f32 [tilespmem:s16], [sflag:$0x3], $0x80, s26, s15, $0xb8;
	[tilespmem:$0x1F000] =	vst v63  }
0x71: {  	_ =	swait.ge [sflag:s13], $0x4000  }
0x72: {  	[sflag:s13] =	ssyncset.done $0x0  }
0x73: {  	s26 =	sadd.s32 $0x100, s25;
	[sflag:s13] =	ssyncadd.s32 $0xFFFFC000  }
0x74: {  	[tilespmem:s16], [sflag:$0x1] =	stream.indirect.gather [hbm4b:s6+s15], $0x80, s26, s15, $0xb8;
	[tilespmem:$0x1F000] =	vst v63  }
0x75: {  	_ =	swait.ge [sflag:s19], $0x4000  }
0x76: {  	[sflag:s19] =	ssyncset.done $0x0  }
.Ltmp1:
0x77: {  	s26 =	sadd.s32 $0x1480, s25;
	[sflag:s19] =	ssyncadd.s32 $0xFFFFC000;
	(pc) =	sbr.rel @p0 .LBB2_4-.Ltmp1, $4  }
0x78: {  	[spmem:s2] =	stream.indirect.scatter.add.f32 [tilespmem:s17], [sflag:$0x3], $0x80, s26, s15, $0xb8;
	[tilespmem:$0x1F000] =	vst v63  }
0x79: {  	_ =	swait.ge [sflag:s13], $0x4000  }
0x7a: {  	[sflag:s13] =	ssyncset.done $0x0  }
0x7b: {  	s25 =	sadd.s32 $0x180, s25;
	[sflag:s13] =	ssyncadd.s32 $0xFFFFC000  }
0x7c: {  	[tilespmem:s17], [sflag:$0x2] =	stream.indirect.gather [hbm4b:s6+s15], $0x80, s25, s15, $0xb8;
	[tilespmem:$0x1F000] =	vst v63  }
0x7d: {  	_ =	swait.ge [sflag:s18], $0x4000  }
0x7e: {  	[sflag:s18] =	ssyncset.done $0x0  }
0x7f: {  	[sflag:s18] =	ssyncadd.s32 $0xFFFFC000  }
0x80: {  	[spmem:s2] =	stream.indirect.scatter.add.f32 [tilespmem:s16], [sflag:$0x3], $0x80, s20, s15, $0xb8;
	[tilespmem:$0x1F000] =	vst v63  }
0x81: {  	_ =	swait.ge [sflag:s13], $0x4000  }
0x82: {  	[sflag:s13] =	ssyncset.done $0x0  }
0x83: {  	[sflag:s13] =	ssyncadd.s32 $0xFFFFC000  }
0x84: {  	_ =	swait.ge [sflag:s19], $0x4000  }
0x85: {  	[sflag:s19] =	ssyncset.done $0x0  }
0x86: {  	[sflag:s19] =	ssyncadd.s32 $0xFFFFC000  }
0x87: {  	[spmem:s2] =	stream.indirect.scatter.add.f32 [tilespmem:s17], [sflag:$0x3], $0x80, s21, s15, $0xb8;
	[tilespmem:$0x1F000] =	vst v63  }
0x88: {  	_ =	swait.ge [sflag:s13], $0x4000  }
0x89: {  	s23 =	sadd.s32 $0x1, s23;
	[sflag:s13] =	ssyncset.done $0x0  }
0x8a: {  	p0 =	sne.s32 s23, s7;
	[sflag:s13] =	ssyncadd.s32 $0xFFFFC000  }
.Ltmp2:
0x8b: {  	[bflag:$0x0] =	sbarrier.arrive $0xFFFF;
	(pc) =	sbr.rel @p0 .LBB2_1-.Ltmp2, $4  }
0x8c: {  	[hbm:s22], [sflag:s5] =	dma.local [spmem:s12], $0x2900  }
0x8d: {  	_ =	swait.ge [sflag:s13], $0x2900  }
0x8e: {  	[sflag:s13] =	ssyncset.done $0x0  }
0x8f: {  	[sflag:s13] =	ssyncadd.s32 $0xFFFFD700  }
0x90: {  	_ =	sfence.sel $0x180000  }
0x91: {  	[bflag:$0x0] =	sbarrier.arrive $0xFFFF  }
0x92: {  	p0 =	sne.s32 s1, $0x0;
	_ =	strace $0x90000050  }
0x93: {  	s0 =	sadd.s32 @!p0 $0x100000, s0;
	[bflag:$0x2] =	sbarrier.arrive $0xFFFF  }
0x94: {  	[sflag:s0] =	ssyncadd.tile.s32 @!p0 $0x1;
	_ =	shalt  }
.Lfunc_end2:
_tile_overlayer_lowered:
.L_overlay_start_2:
0x95: {  	(tag) =	ssettag $0x2  }
0x96: {  	s0 =	rddreg [dreg:$0x0];
	s2 =	stileid.u32  }
0x97: {  	s1 =	rddreg [dreg:$0x1];
	p0 =	sne.s32 s2, $0x0  }
0x98: {  	s3 =	rddreg [dreg:$0x2];
	[bflag:$0x3] =	sbarrier.arrive $0xFFFF;
	s2 =	simm.s32 @!p0 $0x1C03  }
0x99: {  	[timem:s3], [sflag:s2] =	dma.local @!p0 [hbm:s0], s1  }
0x9a: {  	s0 =	simm.s32 @!p0 $0x3  }
0x9b: {  	_ =	swait.ge @!p0 [sflag:s0], s1  }
0x9c: {  	s1 =	ssub.s32 @!p0 $0x0, s1;
	[sflag:s0] =	ssyncset.done @!p0 $0x0  }
0x9d: {  	[sflag:s0] =	ssyncadd.s32 @!p0 s1  }
0x9e: {  	[bflag:$0x3] =	sbarrier.arrive $0xFFFF  }
0x9f: {  	_ =	shalt  }

</sc_bundles>
